<compile_context>
chip_gen: v7x
topology: tpu7x:2x2x1
jax: 0.10.2.dev20260603
libtpu: 0.0.44.dev20260713+nightly
codegen_flags: <defaults>
</compile_context>

<pallas_src>
import jax
import jax.numpy as jnp
from jax import lax
from jax.experimental import pallas as pl
from jax.experimental.pallas import tpu as pltpu
from jax.experimental.pallas import tpu_sc as plsc

_LAM = 1.0
_ALPHA = 0.5
_STEPS = 16
_C = 128
_NT = 16


def _mlp_tc(Xp, W1, b1, W2, b2, NP, D, H, N, BR):
    G = NP // BR

    def body(x_ref, w1_ref, b1_ref, w2_ref, b2_ref, o_ref):
        x = x_ref[...]
        h = jnp.maximum(x @ w1_ref[...] + b1_ref[...], 0.0)
        y0 = h @ w2_ref[...] + b2_ref[...]
        i = pl.program_id(0)
        rows = i * BR + lax.broadcasted_iota(jnp.int32, (BR, 1), 0)
        y0 = jnp.where(rows < N, y0, 0.0)
        o_ref[0] = y0[:, :H]
        o_ref[1] = y0[:, H:]

    return pl.pallas_call(
        body,
        grid=(G,),
        in_specs=[
            pl.BlockSpec((BR, D), lambda i: (i, 0)),
            pl.BlockSpec((D, D), lambda i: (0, 0)),
            pl.BlockSpec((1, D), lambda i: (0, 0)),
            pl.BlockSpec((D, D), lambda i: (0, 0)),
            pl.BlockSpec((1, D), lambda i: (0, 0)),
        ],
        out_specs=pl.BlockSpec((2, BR, H), lambda i: (0, i, 0)),
        out_shape=jax.ShapeDtypeStruct((2, NP, H), jnp.float32),
    )(Xp, W1, b1.reshape(1, D), W2, b2.reshape(1, D))


def _head_tc(y_pair, W_out, b_out, NP, D, H, BR):
    G = NP // BR

    def body(y_ref, w_ref, b_ref, o_ref):
        w = w_ref[...]
        o_ref[...] = y_ref[0] @ w[:H] + y_ref[1] @ w[H:] + b_ref[...]

    return pl.pallas_call(
        body,
        grid=(G,),
        in_specs=[
            pl.BlockSpec((2, BR, H), lambda i: (0, i, 0)),
            pl.BlockSpec((D, D), lambda i: (0, 0)),
            pl.BlockSpec((1, D), lambda i: (0, 0)),
        ],
        out_specs=pl.BlockSpec((BR, D), lambda i: (i, 0)),
        out_shape=jax.ShapeDtypeStruct((NP, D), jnp.float32),
    )(y_pair, W_out, b_out.reshape(1, D))


def _sc_diffuse(y0_pair, srcp, dstp2, NP, H, N, K):
    R = NP // _NT
    RB = 80
    RC = R // RB
    KG = K // 16
    HB = H // 16
    i32 = jnp.int32
    f32 = jnp.float32
    mesh = plsc.VectorSubcoreMesh(core_axis_name="c", subcore_axis_name="s")

    def body(y0_hbm, src_hbm, dst_hbm, out_hbm,
             acc_sp, deg_sp,
             sidx, didx, rows0, rows1, accb, yb, y0b, degl, sv, onesb,
             semg0, semg1, sems0, sems1, semis, semid,
             semba, semby, semb0, semw0, semw1):
        c = lax.axis_index("c")
        t = lax.axis_index("s")
        row0 = t * R
        cofs = c * NP
        ones16 = jnp.ones((16,), f32)
        zeros16 = jnp.zeros((16,), f32)
        rows = (rows0, rows1)
        semg = (semg0, semg1)
        sems = (sems0, sems1)

        def zdeg(i, _):
            degl[pl.ds(i * 16, 16)] = zeros16
            return 0
        lax.fori_loop(0, R // 16, zdeg, 0)
        for k in range(_C // 16):
            onesb[pl.ds(k * 16, 16)] = ones16

        pltpu.sync_copy(degl, deg_sp.at[pl.ds(row0, R)])
        plsc.subcore_barrier()

        def dgroup(g, _2):
            pltpu.sync_copy(src_hbm.at[t, pl.ds(g * 16, 16)], sidx.at[0])

            def dchunk(j, _3):
                pltpu.sync_copy(onesb, deg_sp.at[sidx.at[0, j]], add=True)
                return 0
            lax.fori_loop(0, 16, dchunk, 0)
            return 0
        lax.fori_loop(0, KG, dgroup, 0)
        plsc.subcore_barrier()

        pltpu.sync_copy(deg_sp.at[pl.ds(row0, R)], degl)

        def srow(i, _):
            dk = degl[pl.ds(i * 16, 16)]
            sv[pl.ds(i * 16, 16)] = _ALPHA / (_LAM * dk + 1.0)
            return 0
        lax.fori_loop(0, R // 16, srow, 0)

        def zacc(i, _):
            for cb in range(HB):
                accb[i, pl.ds(cb * 16, 16)] = zeros16
            return 0
        lax.fori_loop(0, RB, zacc, 0)

        def init_chunk(rc, _):
            r0 = row0 + rc * RB
            pltpu.sync_copy(y0_hbm.at[c, pl.ds(r0, RB)], y0b)
            pltpu.sync_copy(y0b, out_hbm.at[pl.ds(cofs + r0, RB)])
            pltpu.sync_copy(accb, acc_sp.at[pl.ds(r0, RB)])
            return 0
        lax.fori_loop(0, RC, init_chunk, 0)
        plsc.subcore_barrier()

        def step(_s, carry):
            pltpu.sync_copy(src_hbm.at[t, pl.ds(0, 16)], sidx.at[0])
            pltpu.sync_copy(dst_hbm.at[c, t, pl.ds(0, 16)], didx.at[0])
            pltpu.async_copy(out_hbm.at[didx.at[0, 0]], rows0, semg0)

            def pair(j2, _2):
                for p in range(2):
                    j = 2 * j2 + p
                    gg = j // 16
                    jj = j - gg * 16
                    slot = jnp.bitwise_and(gg, 1)
                    pltpu.make_async_copy(
                        out_hbm.at[didx.at[slot, jj]], rows[p], semg[p]).wait()
                    pltpu.async_copy(
                        rows[p], acc_sp.at[sidx.at[slot, jj]], sems[p],
                        add=True)
                    @pl.when(jnp.logical_and(jj == 8, gg + 1 < KG))
                    def _():
                        nslot = jnp.bitwise_xor(slot, 1)
                        g1 = (gg + 1) * 16
                        pltpu.async_copy(
                            src_hbm.at[t, pl.ds(g1, 16)], sidx.at[nslot],
                            semis)
                        pltpu.async_copy(
                            dst_hbm.at[c, t, pl.ds(g1, 16)], didx.at[nslot],
                            semid)
                    @pl.when(jnp.logical_and(jj == 15, gg + 1 < KG))
                    def _():
                        nslot = jnp.bitwise_xor(slot, 1)
                        g1 = (gg + 1) * 16
                        pltpu.make_async_copy(
                            src_hbm.at[t, pl.ds(g1, 16)], sidx.at[nslot],
                            semis).wait()
                        pltpu.make_async_copy(
                            dst_hbm.at[c, t, pl.ds(g1, 16)], didx.at[nslot],
                            semid).wait()
                    @pl.when(j > 0)
                    def _():
                        pltpu.make_async_copy(
                            rows[p ^ 1], acc_sp.at[sidx.at[slot, jj]],
                            sems[p ^ 1]).wait()
                    @pl.when(j + 1 < K)
                    def _():
                        g1 = j + 1
                        gg1 = g1 // 16
                        jj1 = g1 - gg1 * 16
                        slot1 = jnp.bitwise_and(gg1, 1)
                        pltpu.async_copy(
                            out_hbm.at[didx.at[slot1, jj1]], rows[p ^ 1],
                            semg[p ^ 1])
                return 0
            lax.fori_loop(0, K // 2, pair, 0)
            pltpu.make_async_copy(
                rows[1], acc_sp.at[sidx.at[jnp.bitwise_and(KG - 1, 1), 15]],
                sems[1]).wait()
            plsc.subcore_barrier()

            def upd_chunk(rc, _2):
                r0 = row0 + rc * RB
                @pl.when(rc > 0)
                def _():
                    rp = row0 + (rc - 1) * RB
                    pltpu.make_async_copy(
                        yb, out_hbm.at[pl.ds(cofs + rp, RB)], semw0).wait()
                    pltpu.make_async_copy(
                        accb, acc_sp.at[pl.ds(rp, RB)], semw1).wait()
                pltpu.async_copy(acc_sp.at[pl.ds(r0, RB)], accb, semba)
                pltpu.async_copy(
                    out_hbm.at[pl.ds(cofs + r0, RB)], yb, semby)
                pltpu.async_copy(y0_hbm.at[c, pl.ds(r0, RB)], y0b, semb0)
                pltpu.make_async_copy(
                    acc_sp.at[pl.ds(r0, RB)], accb, semba).wait()
                pltpu.make_async_copy(
                    out_hbm.at[pl.ds(cofs + r0, RB)], yb, semby).wait()
                pltpu.make_async_copy(
                    y0_hbm.at[c, pl.ds(r0, RB)], y0b, semb0).wait()

                def urow(r, _3):
                    sbc = plsc.load_gather(
                        sv, [jnp.full((16,), rc * RB + r, i32)])
                    for cb in range(HB):
                        sl = pl.ds(cb * 16, 16)
                        a = accb[r, sl]
                        y = yb[r, sl]
                        y0v = y0b[r, sl]
                        yb[r, sl] = (1.0 - _ALPHA) * y + sbc * (_LAM * a + y0v)
                        accb[r, sl] = zeros16
                    return 0
                lax.fori_loop(0, RB, urow, 0)
                pltpu.async_copy(
                    yb, out_hbm.at[pl.ds(cofs + r0, RB)], semw0)
                pltpu.async_copy(accb, acc_sp.at[pl.ds(r0, RB)], semw1)
                return 0
            lax.fori_loop(0, RC, upd_chunk, 0)
            rl = row0 + (RC - 1) * RB
            pltpu.make_async_copy(
                yb, out_hbm.at[pl.ds(cofs + rl, RB)], semw0).wait()
            pltpu.make_async_copy(
                accb, acc_sp.at[pl.ds(rl, RB)], semw1).wait()
            plsc.subcore_barrier()
            return carry
        lax.fori_loop(0, _STEPS, step, 0)

    fn = pl.kernel(
        body,
        out_type=jax.ShapeDtypeStruct((2 * NP, H), f32),
        mesh=mesh,
        compiler_params=pltpu.CompilerParams(
            needs_layout_passes=False, use_tc_tiling_on_sc=False),
        scratch_types=[
            pltpu.VMEM_SHARED((2 * NP, H), f32),
            pltpu.VMEM_SHARED((2 * NP,), f32),
            pltpu.VMEM((2, 16, _C), i32),
            pltpu.VMEM((2, 16, _C), i32),
            pltpu.VMEM((_C, H), f32),
            pltpu.VMEM((_C, H), f32),
            pltpu.VMEM((RB, H), f32),
            pltpu.VMEM((RB, H), f32),
            pltpu.VMEM((RB, H), f32),
            pltpu.VMEM((R,), f32),
            pltpu.VMEM((R,), f32),
            pltpu.VMEM((_C,), f32),
            pltpu.SemaphoreType.DMA,
            pltpu.SemaphoreType.DMA,
            pltpu.SemaphoreType.DMA,
            pltpu.SemaphoreType.DMA,
            pltpu.SemaphoreType.DMA,
            pltpu.SemaphoreType.DMA,
            pltpu.SemaphoreType.DMA,
            pltpu.SemaphoreType.DMA,
            pltpu.SemaphoreType.DMA,
            pltpu.SemaphoreType.DMA,
            pltpu.SemaphoreType.DMA,
        ],
    )
    return fn(y0_pair, srcp, dstp2).reshape(2, NP, H)


def kernel(X, edge_index, W1, b1, W2, b2, W_out, b_out):
    N, D = X.shape
    H = D // 2
    E = edge_index.shape[1]
    NP = ((N + 1 + 2047) // 2048) * 2048
    NCH = -(-E // _C)
    K = 16 * (-(-NCH // (_NT * 16)))
    PADE = _NT * K * _C

    src = edge_index[0]
    dst = edge_index[1]
    pad = jnp.full((PADE - E,), N, jnp.int32)
    srcp = jnp.concatenate([src, pad]).reshape(K, _NT, _C).transpose(1, 0, 2)
    dstp = jnp.concatenate([dst, pad]).reshape(K, _NT, _C).transpose(1, 0, 2)
    dstp2 = jnp.stack([dstp, dstp + NP])
    Xp = jnp.pad(X, ((0, NP - N), (0, 0)))

    BR = NP // 16
    y0_pair = _mlp_tc(Xp, W1, b1, W2, b2, NP, D, H, N, BR)
    y_pair = _sc_diffuse(y0_pair, srcp, dstp2, NP, H, N, K)
    out = _head_tc(y_pair, W_out, b_out, NP, D, H, BR)
    return out[:N]

# --- scband reference (transcript-rebuilt; emitter-appended) ---
"""Pipeline reference for scband-twirls-19696720019620 (READ-ONLY COPY).

The authoritative reference and input builder live on the scoring server;
editing this copy changes nothing except your own understanding.
"""

import jax, jax.numpy as jnp
import numpy as np

N = 10000
E = 320000
D_IN = 128
HID = 128
D_OUT = 128
LAM = 1.0
ALPHA = 0.5
NUM_STEPS = 16


def setup_inputs(seed: int = 0) -> dict:
    key = jax.random.key(seed)
    ks = jax.random.split(key, 8)
    X = jax.random.normal(ks[0], (N, D_IN), dtype=jnp.float32)
    edge_index = jax.random.randint(ks[1], (2, E), 0, N, dtype=jnp.int32)
    # MLP params (dropout is identity in eval mode)
    W1 = jax.random.normal(ks[2], (D_IN, HID), dtype=jnp.float32) * (1.0 / np.sqrt(D_IN))
    b1 = jnp.zeros((HID,), dtype=jnp.float32)
    W2 = jax.random.normal(ks[3], (HID, HID), dtype=jnp.float32) * (1.0 / np.sqrt(HID))
    b2 = jnp.zeros((HID,), dtype=jnp.float32)
    W_out = jax.random.normal(ks[4], (HID, D_OUT), dtype=jnp.float32) * (1.0 / np.sqrt(HID))
    b_out = jnp.zeros((D_OUT,), dtype=jnp.float32)
    return {"X": X, "edge_index": edge_index, "W1": W1, "b1": b1, "W2": W2, "b2": b2, "W_out": W_out, "b_out": b_out}


def reference(X, edge_index, W1, b1, W2, b2, W_out, b_out):
    src = edge_index[0]
    dst = edge_index[1]
    # MLP (dropout in eval mode -> identity)
    H1 = jax.nn.relu(X @ W1 + b1)
    Y0 = H1 @ W2 + b2
    Y = Y0
    # D_tild = lam * diag(A.sum(1)) + I  (row sums of sparse adjacency)
    deg = jax.ops.segment_sum(jnp.ones((E,), dtype=jnp.float32), src, num_segments=N)
    d_tild = LAM * deg + 1.0
    for _ in range(NUM_STEPS):
        # A @ Y : (A @ Y)[row] = sum over edges (row, col) of Y[col]
        AY = jax.ops.segment_sum(Y[dst], src, num_segments=N)
        Y_hat = LAM * AY + Y0
        Y = (1.0 - ALPHA) * Y + ALPHA * (Y_hat / d_tild[:, None])
    return Y @ W_out + b_out

if __name__ == "__main__":
    import jax
    _d = setup_inputs()
    print(jax.jit(kernel)(*tuple(_d.values())))

</pallas_src>

<mosaic_0001>
#map = affine_map<(d0, d1) -> (0, 0, 0)>
#map1 = affine_map<(d0, d1) -> (0, 0, 0, 0)>
#map2 = affine_map<(d0, d1) -> (0, 0)>
module attributes {stable_mosaic.version = 14 : i64} {
  func.func @body(%arg0: i32, %arg1: i32, %arg2: memref<2x10240x64xf32, #tpu.memory_space<hbm>>, %arg3: memref<16x160x128xi32, #tpu.memory_space<hbm>>, %arg4: memref<2x16x160x128xi32, #tpu.memory_space<hbm>>, %arg5: memref<20480x64xf32, #tpu.memory_space<hbm>>, %arg6: memref<20480x64xf32, #tpu.memory_space<vmem_shared>>, %arg7: memref<20480xf32, #tpu.memory_space<vmem_shared>>, %arg8: memref<2x16x128xi32, #tpu.memory_space<vmem>>, %arg9: memref<2x16x128xi32, #tpu.memory_space<vmem>>, %arg10: memref<128x64xf32, #tpu.memory_space<vmem>>, %arg11: memref<128x64xf32, #tpu.memory_space<vmem>>, %arg12: memref<80x64xf32, #tpu.memory_space<vmem>>, %arg13: memref<80x64xf32, #tpu.memory_space<vmem>>, %arg14: memref<80x64xf32, #tpu.memory_space<vmem>>, %arg15: memref<640xf32, #tpu.memory_space<vmem>>, %arg16: memref<640xf32, #tpu.memory_space<vmem>>, %arg17: memref<128xf32, #tpu.memory_space<vmem>>, %arg18: memref<!tpu.dma_semaphore, #tpu.memory_space<semaphore_mem>>, %arg19: memref<!tpu.dma_semaphore, #tpu.memory_space<semaphore_mem>>, %arg20: memref<!tpu.dma_semaphore, #tpu.memory_space<semaphore_mem>>, %arg21: memref<!tpu.dma_semaphore, #tpu.memory_space<semaphore_mem>>, %arg22: memref<!tpu.dma_semaphore, #tpu.memory_space<semaphore_mem>>, %arg23: memref<!tpu.dma_semaphore, #tpu.memory_space<semaphore_mem>>, %arg24: memref<!tpu.dma_semaphore, #tpu.memory_space<semaphore_mem>>, %arg25: memref<!tpu.dma_semaphore, #tpu.memory_space<semaphore_mem>>, %arg26: memref<!tpu.dma_semaphore, #tpu.memory_space<semaphore_mem>>, %arg27: memref<!tpu.dma_semaphore, #tpu.memory_space<semaphore_mem>>, %arg28: memref<!tpu.dma_semaphore, #tpu.memory_space<semaphore_mem>>) attributes {dimension_semantics = [#tpu.dimension_semantics<core_parallel>, #tpu.dimension_semantics<subcore_parallel>], iteration_bounds = array<i64: 2, 16>, scalar_prefetch = 0 : i64, scratch_operands = 23 : i64, tpu.core_type = #tpu.core_type<sc_vector_subcore>, window_params = [{transform_indices = #map}, {transform_indices = #map}, {transform_indices = #map1}, {transform_indices = #map2}]} {
    %mul3A = arith.constant 640 : i32
    %mul3A_0 = arith.muli %arg1, %mul3A : i32
    %mul3A_1 = arith.constant 10240 : i32
    %mul3A_2 = arith.muli %arg0, %mul3A_1 : i32
    %broadcast_in_dim3A = arith.constant 1.000000e+00 : f32
    %broadcast_in_dim3A_3 = vector.broadcast %broadcast_in_dim3A : f32 to vector<16xf32>
    %broadcast_in_dim3A_4 = arith.constant 0.000000e+00 : f32
    %broadcast_in_dim3A_5 = vector.broadcast %broadcast_in_dim3A_4 : f32 to vector<16xf32>
    %scan3A = arith.constant 0 : i32
    %scan3A_6 = arith.constant 0 : i32
    %scan3A_7 = arith.constant 40 : i32
    %scan3A_8 = arith.addi %scan3A_6, %scan3A_7 : i32
    %scan3A_9 = arith.constant 1 : i32
    %scan3A_10 = scf.for %scan3A_63 = %scan3A_6 to %scan3A_8 step %scan3A_9 iter_args(%scan3A_64 = %scan3A) -> (i32)  : i32 {
      %mul3A_65 = arith.constant 16 : i32
      %mul3A_66 = arith.muli %scan3A_63, %mul3A_65 : i32
      %swap3A_67 = arith.index_cast %mul3A_66 : i32 to index
      %swap3A_68 = tpu.vector_load %arg15[%swap3A_67] {strides = array<i32>} : memref<640xf32, #tpu.memory_space<vmem>>, vector<16xf32>,
      tpu.vector_store %arg15[%swap3A_67], %broadcast_in_dim3A_5 {strides = array<i32>} : memref<640xf32, #tpu.memory_space<vmem>>, vector<16xf32>,
      %scan3A_69 = arith.constant 0 : i32
      scf.yield %scan3A_69 : i32
    }
    %scan3A_11 = arith.constant 40 : i32
    %swap3A = arith.constant 0 : index
    %swap3A_12 = tpu.vector_load %arg17[%swap3A] {strides = array<i32>} : memref<128xf32, #tpu.memory_space<vmem>>, vector<16xf32>,
    tpu.vector_store %arg17[%swap3A], %broadcast_in_dim3A_3 {strides = array<i32>} : memref<128xf32, #tpu.memory_space<vmem>>, vector<16xf32>,
    %swap3A_13 = arith.constant 16 : index
    %swap3A_14 = tpu.vector_load %arg17[%swap3A_13] {strides = array<i32>} : memref<128xf32, #tpu.memory_space<vmem>>, vector<16xf32>,
    tpu.vector_store %arg17[%swap3A_13], %broadcast_in_dim3A_3 {strides = array<i32>} : memref<128xf32, #tpu.memory_space<vmem>>, vector<16xf32>,
    %swap3A_15 = arith.constant 32 : index
    %swap3A_16 = tpu.vector_load %arg17[%swap3A_15] {strides = array<i32>} : memref<128xf32, #tpu.memory_space<vmem>>, vector<16xf32>,
    tpu.vector_store %arg17[%swap3A_15], %broadcast_in_dim3A_3 {strides = array<i32>} : memref<128xf32, #tpu.memory_space<vmem>>, vector<16xf32>,
    %swap3A_17 = arith.constant 48 : index
    %swap3A_18 = tpu.vector_load %arg17[%swap3A_17] {strides = array<i32>} : memref<128xf32, #tpu.memory_space<vmem>>, vector<16xf32>,
    tpu.vector_store %arg17[%swap3A_17], %broadcast_in_dim3A_3 {strides = array<i32>} : memref<128xf32, #tpu.memory_space<vmem>>, vector<16xf32>,
    %swap3A_19 = arith.constant 64 : index
    %swap3A_20 = tpu.vector_load %arg17[%swap3A_19] {strides = array<i32>} : memref<128xf32, #tpu.memory_space<vmem>>, vector<16xf32>,
    tpu.vector_store %arg17[%swap3A_19], %broadcast_in_dim3A_3 {strides = array<i32>} : memref<128xf32, #tpu.memory_space<vmem>>, vector<16xf32>,
    %swap3A_21 = arith.constant 80 : index
    %swap3A_22 = tpu.vector_load %arg17[%swap3A_21] {strides = array<i32>} : memref<128xf32, #tpu.memory_space<vmem>>, vector<16xf32>,
    tpu.vector_store %arg17[%swap3A_21], %broadcast_in_dim3A_3 {strides = array<i32>} : memref<128xf32, #tpu.memory_space<vmem>>, vector<16xf32>,
    %swap3A_23 = arith.constant 96 : index
    %swap3A_24 = tpu.vector_load %arg17[%swap3A_23] {strides = array<i32>} : memref<128xf32, #tpu.memory_space<vmem>>, vector<16xf32>,
    tpu.vector_store %arg17[%swap3A_23], %broadcast_in_dim3A_3 {strides = array<i32>} : memref<128xf32, #tpu.memory_space<vmem>>, vector<16xf32>,
    %swap3A_25 = arith.constant 112 : index
    %swap3A_26 = tpu.vector_load %arg17[%swap3A_25] {strides = array<i32>} : memref<128xf32, #tpu.memory_space<vmem>>, vector<16xf32>,
    tpu.vector_store %arg17[%swap3A_25], %broadcast_in_dim3A_3 {strides = array<i32>} : memref<128xf32, #tpu.memory_space<vmem>>, vector<16xf32>,
    "tpu.region"() ({
      %run_scoped3A = tpu.sem_alloc : memref<!tpu.dma_semaphore, #tpu.memory_space<semaphore_mem>>
      %dma_start3A = tpu.memref_slice %arg7[%mul3A_0] : memref<20480xf32, #tpu.memory_space<vmem_shared>> -> memref<640xf32, #tpu.memory_space<vmem_shared>>
      %dma_start3A_63 = tpu.memref_slice %arg7[%mul3A_0] : memref<20480xf32, #tpu.memory_space<vmem_shared>> -> memref<640xf32, #tpu.memory_space<vmem_shared>>
      tpu.enqueue_dma source(%arg15 : memref<640xf32, #tpu.memory_space<vmem>>) target(%dma_start3A_63 : memref<640xf32, #tpu.memory_space<vmem_shared>>) target_semaphore(%run_scoped3A : memref<!tpu.dma_semaphore, #tpu.memory_space<semaphore_mem>>)
      %dma_wait3A = tpu.memref_slice %arg7[%mul3A_0] : memref<20480xf32, #tpu.memory_space<vmem_shared>> -> memref<640xf32, #tpu.memory_space<vmem_shared>>
      %dma_wait3A_64 = tpu.memref_slice %arg7[%mul3A_0] : memref<20480xf32, #tpu.memory_space<vmem_shared>> -> memref<640xf32, #tpu.memory_space<vmem_shared>>
      tpu.wait_dma2 semaphore(%run_scoped3A : memref<!tpu.dma_semaphore, #tpu.memory_space<semaphore_mem>>) src(%arg15 : memref<640xf32, #tpu.memory_space<vmem>>) dst(%dma_wait3A_64 : memref<640xf32, #tpu.memory_space<vmem_shared>>)
      tpu.yield
    }) : () -> ()
    %barrier3A = arith.constant 0 : index
    tpu.barrier barrier_id(%barrier3A)
    %scan3A_27 = arith.constant 0 : i32
    %scan3A_28 = arith.constant 0 : i32
    %scan3A_29 = arith.constant 10 : i32
    %scan3A_30 = arith.addi %scan3A_28, %scan3A_29 : i32
    %scan3A_31 = arith.constant 1 : i32
    %scan3A_32 = scf.for %scan3A_63 = %scan3A_28 to %scan3A_30 step %scan3A_31 iter_args(%scan3A_64 = %scan3A_27) -> (i32)  : i32 {
      %mul3A_65 = arith.constant 16 : i32
      %mul3A_66 = arith.muli %scan3A_63, %mul3A_65 : i32
      %run_scoped3A = arith.constant 0 : i32
      "tpu.region"() ({
        %run_scoped3A_75 = tpu.sem_alloc : memref<!tpu.dma_semaphore, #tpu.memory_space<semaphore_mem>>
        %dma_start3A = arith.constant 0 : i32
        %dma_start3A_76 = arith.constant 0 : i32
        %dma_start3A_77 = tpu.memref_slice %arg8[%run_scoped3A, %dma_start3A, %dma_start3A_76] : memref<2x16x128xi32, #tpu.memory_space<vmem>> -> memref<1x16x128xi32, #tpu.memory_space<vmem>>
        %dma_start3A_78 = tpu.memref_squeeze %dma_start3A_77 : memref<1x16x128xi32, #tpu.memory_space<vmem>> -> memref<16x128xi32, #tpu.memory_space<vmem>>
        %dma_start3A_79 = arith.constant 0 : i32
        %dma_start3A_80 = tpu.memref_slice %arg3[%arg1, %mul3A_66, %dma_start3A_79] : memref<16x160x128xi32, #tpu.memory_space<hbm>> -> memref<1x16x128xi32, #tpu.memory_space<hbm>>
        %dma_start3A_81 = tpu.memref_squeeze %dma_start3A_80 : memref<1x16x128xi32, #tpu.memory_space<hbm>> -> memref<16x128xi32, #tpu.memory_space<hbm>>
        %dma_start3A_82 = arith.constant 0 : i32
        %dma_start3A_83 = arith.constant 0 : i32
        %dma_start3A_84 = tpu.memref_slice %arg8[%run_scoped3A, %dma_start3A_82, %dma_start3A_83] : memref<2x16x128xi32, #tpu.memory_space<vmem>> -> memref<1x16x128xi32, #tpu.memory_space<vmem>>
        %dma_start3A_85 = tpu.memref_squeeze %dma_start3A_84 : memref<1x16x128xi32, #tpu.memory_space<vmem>> -> memref<16x128xi32, #tpu.memory_space<vmem>>
        %dma_start3A_86 = arith.constant 0 : i32
        %dma_start3A_87 = tpu.memref_slice %arg3[%arg1, %mul3A_66, %dma_start3A_86] : memref<16x160x128xi32, #tpu.memory_space<hbm>> -> memref<1x16x128xi32, #tpu.memory_space<hbm>>
        %dma_start3A_88 = tpu.memref_squeeze %dma_start3A_87 : memref<1x16x128xi32, #tpu.memory_space<hbm>> -> memref<16x128xi32, #tpu.memory_space<hbm>>
        tpu.enqueue_dma source(%dma_start3A_88 : memref<16x128xi32, #tpu.memory_space<hbm>>) target(%dma_start3A_85 : memref<16x128xi32, #tpu.memory_space<vmem>>) target_semaphore(%run_scoped3A_75 : memref<!tpu.dma_semaphore, #tpu.memory_space<semaphore_mem>>)
        %dma_wait3A = arith.constant 0 : i32
        %dma_wait3A_89 = arith.constant 0 : i32
        %dma_wait3A_90 = tpu.memref_slice %arg8[%run_scoped3A, %dma_wait3A, %dma_wait3A_89] : memref<2x16x128xi32, #tpu.memory_space<vmem>> -> memref<1x16x128xi32, #tpu.memory_space<vmem>>
        %dma_wait3A_91 = tpu.memref_squeeze %dma_wait3A_90 : memref<1x16x128xi32, #tpu.memory_space<vmem>> -> memref<16x128xi32, #tpu.memory_space<vmem>>
        %dma_wait3A_92 = arith.constant 0 : i32
        %dma_wait3A_93 = tpu.memref_slice %arg3[%arg1, %mul3A_66, %dma_wait3A_92] : memref<16x160x128xi32, #tpu.memory_space<hbm>> -> memref<1x16x128xi32, #tpu.memory_space<hbm>>
        %dma_wait3A_94 = tpu.memref_squeeze %dma_wait3A_93 : memref<1x16x128xi32, #tpu.memory_space<hbm>> -> memref<16x128xi32, #tpu.memory_space<hbm>>
        %dma_wait3A_95 = arith.constant 0 : i32
        %dma_wait3A_96 = arith.constant 0 : i32
        %dma_wait3A_97 = tpu.memref_slice %arg8[%run_scoped3A, %dma_wait3A_95, %dma_wait3A_96] : memref<2x16x128xi32, #tpu.memory_space<vmem>> -> memref<1x16x128xi32, #tpu.memory_space<vmem>>
        %dma_wait3A_98 = tpu.memref_squeeze %dma_wait3A_97 : memref<1x16x128xi32, #tpu.memory_space<vmem>> -> memref<16x128xi32, #tpu.memory_space<vmem>>
        %dma_wait3A_99 = arith.constant 0 : i32
        %dma_wait3A_100 = tpu.memref_slice %arg3[%arg1, %mul3A_66, %dma_wait3A_99] : memref<16x160x128xi32, #tpu.memory_space<hbm>> -> memref<1x16x128xi32, #tpu.memory_space<hbm>>
        %dma_wait3A_101 = tpu.memref_squeeze %dma_wait3A_100 : memref<1x16x128xi32, #tpu.memory_space<hbm>> -> memref<16x128xi32, #tpu.memory_space<hbm>>
        tpu.wait_dma2 semaphore(%run_scoped3A_75 : memref<!tpu.dma_semaphore, #tpu.memory_space<semaphore_mem>>) src(%dma_wait3A_101 : memref<16x128xi32, #tpu.memory_space<hbm>>) dst(%dma_wait3A_98 : memref<16x128xi32, #tpu.memory_space<vmem>>)
        tpu.yield
      }) : () -> ()
      %scan3A_67 = arith.constant 0 : i32
      %scan3A_68 = arith.constant 0 : i32
      %scan3A_69 = arith.constant 16 : i32
      %scan3A_70 = arith.addi %scan3A_68, %scan3A_69 : i32
      %scan3A_71 = arith.constant 1 : i32
      %scan3A_72 = scf.for %scan3A_75 = %scan3A_68 to %scan3A_70 step %scan3A_71 iter_args(%scan3A_76 = %scan3A_67) -> (i32)  : i32 {
        %run_scoped3A_77 = arith.constant 0 : i32
        "tpu.region"() ({
          %run_scoped3A_79 = tpu.sem_alloc : memref<!tpu.dma_semaphore, #tpu.memory_space<semaphore_mem>>
          %dma_start3A = arith.constant 0 : i32
          %dma_start3A_80 = tpu.memref_slice %arg8[%run_scoped3A_77, %scan3A_75, %dma_start3A] : memref<2x16x128xi32, #tpu.memory_space<vmem>> -> memref<1x1x128xi32, #tpu.memory_space<vmem>>
          %dma_start3A_81 = tpu.memref_squeeze %dma_start3A_80 : memref<1x1x128xi32, #tpu.memory_space<vmem>> -> memref<128xi32, #tpu.memory_space<vmem>>
          %dma_start3A_82 = arith.constant 0 : i32
          %dma_start3A_83 = tpu.memref_slice %arg7[%dma_start3A_82] : memref<20480xf32, #tpu.memory_space<vmem_shared>> -> memref<20480xf32, #tpu.memory_space<vmem_shared>>
          tpu.enqueue_indirect_dma source(%arg17 : memref<128xf32, #tpu.memory_space<vmem>>) target(%dma_start3A_83 : memref<20480xf32, #tpu.memory_space<vmem_shared>>) offsets(%dma_start3A_81 : memref<128xi32, #tpu.memory_space<vmem>>) semaphore(%run_scoped3A_79 : memref<!tpu.dma_semaphore, #tpu.memory_space<semaphore_mem>>) {add = true}
          %dma_wait3A = arith.constant 0 : i32
          %dma_wait3A_84 = tpu.memref_slice %arg8[%run_scoped3A_77, %scan3A_75, %dma_wait3A] : memref<2x16x128xi32, #tpu.memory_space<vmem>> -> memref<1x1x128xi32, #tpu.memory_space<vmem>>
          %dma_wait3A_85 = tpu.memref_squeeze %dma_wait3A_84 : memref<1x1x128xi32, #tpu.memory_space<vmem>> -> memref<128xi32, #tpu.memory_space<vmem>>
          %dma_wait3A_86 = arith.constant 0 : i32
          %dma_wait3A_87 = tpu.memref_slice %arg7[%dma_wait3A_86] : memref<20480xf32, #tpu.memory_space<vmem_shared>> -> memref<20480xf32, #tpu.memory_space<vmem_shared>>
          tpu.wait_indirect_dma semaphore(%run_scoped3A_79 : memref<!tpu.dma_semaphore, #tpu.memory_space<semaphore_mem>>) src(%arg17 : memref<128xf32, #tpu.memory_space<vmem>>) dst(%dma_wait3A_87 : memref<20480xf32, #tpu.memory_space<vmem_shared>>)
          tpu.yield
        }) : () -> ()
        %scan3A_78 = arith.constant 0 : i32
        scf.yield %scan3A_78 : i32
      }
      %scan3A_73 = arith.constant 16 : i32
      %scan3A_74 = arith.constant 0 : i32
      scf.yield %scan3A_74 : i32
    }
    %scan3A_33 = arith.constant 10 : i32
    %barrier3A_34 = arith.constant 0 : index
    tpu.barrier barrier_id(%barrier3A_34)
    "tpu.region"() ({
      %run_scoped3A = tpu.sem_alloc : memref<!tpu.dma_semaphore, #tpu.memory_space<semaphore_mem>>
      %dma_start3A = tpu.memref_slice %arg7[%mul3A_0] : memref<20480xf32, #tpu.memory_space<vmem_shared>> -> memref<640xf32, #tpu.memory_space<vmem_shared>>
      %dma_start3A_63 = tpu.memref_slice %arg7[%mul3A_0] : memref<20480xf32, #tpu.memory_space<vmem_shared>> -> memref<640xf32, #tpu.memory_space<vmem_shared>>
      tpu.enqueue_dma source(%dma_start3A_63 : memref<640xf32, #tpu.memory_space<vmem_shared>>) target(%arg15 : memref<640xf32, #tpu.memory_space<vmem>>) target_semaphore(%run_scoped3A : memref<!tpu.dma_semaphore, #tpu.memory_space<semaphore_mem>>)
      %dma_wait3A = tpu.memref_slice %arg7[%mul3A_0] : memref<20480xf32, #tpu.memory_space<vmem_shared>> -> memref<640xf32, #tpu.memory_space<vmem_shared>>
      %dma_wait3A_64 = tpu.memref_slice %arg7[%mul3A_0] : memref<20480xf32, #tpu.memory_space<vmem_shared>> -> memref<640xf32, #tpu.memory_space<vmem_shared>>
      tpu.wait_dma2 semaphore(%run_scoped3A : memref<!tpu.dma_semaphore, #tpu.memory_space<semaphore_mem>>) src(%dma_wait3A_64 : memref<640xf32, #tpu.memory_space<vmem_shared>>) dst(%arg15 : memref<640xf32, #tpu.memory_space<vmem>>)
      tpu.yield
    }) : () -> ()
    %scan3A_35 = arith.constant 0 : i32
    %scan3A_36 = arith.constant 0 : i32
    %scan3A_37 = arith.constant 40 : i32
    %scan3A_38 = arith.addi %scan3A_36, %scan3A_37 : i32
    %scan3A_39 = arith.constant 1 : i32
    %scan3A_40 = scf.for %scan3A_63 = %scan3A_36 to %scan3A_38 step %scan3A_39 iter_args(%scan3A_64 = %scan3A_35) -> (i32)  : i32 {
      %mul3A_65 = arith.constant 16 : i32
      %mul3A_66 = arith.muli %scan3A_63, %mul3A_65 : i32
      %get3A = arith.index_cast %mul3A_66 : i32 to index
      %get3A_67 = tpu.vector_load %arg15[%get3A] {strides = array<i32>} : memref<640xf32, #tpu.memory_space<vmem>>, vector<16xf32>,
      %mul3A_68 = arith.constant 1.000000e+00 : f32
      %mul3A_69 = vector.broadcast %mul3A_68 : f32 to vector<16xf32>
      %mul3A_70 = arith.mulf %mul3A_69, %get3A_67 : vector<16xf32>
      %add3A = arith.constant 1.000000e+00 : f32
      %add3A_71 = vector.broadcast %add3A : f32 to vector<16xf32>
      %add3A_72 = arith.addf %mul3A_70, %add3A_71 : vector<16xf32>
      %div3A = arith.constant 5.000000e-01 : f32
      %div3A_73 = vector.broadcast %div3A : f32 to vector<16xf32>
      %div3A_74 = arith.divf %div3A_73, %add3A_72 : vector<16xf32>
      %mul3A_75 = arith.constant 16 : i32
      %mul3A_76 = arith.muli %scan3A_63, %mul3A_75 : i32
      %swap3A_77 = arith.index_cast %mul3A_76 : i32 to index
      %swap3A_78 = tpu.vector_load %arg16[%swap3A_77] {strides = array<i32>} : memref<640xf32, #tpu.memory_space<vmem>>, vector<16xf32>,
      tpu.vector_store %arg16[%swap3A_77], %div3A_74 {strides = array<i32>} : memref<640xf32, #tpu.memory_space<vmem>>, vector<16xf32>,
      %scan3A_79 = arith.constant 0 : i32
      scf.yield %scan3A_79 : i32
    }
    %scan3A_41 = arith.constant 40 : i32
    %scan3A_42 = arith.constant 0 : i32
    %scan3A_43 = arith.constant 0 : i32
    %scan3A_44 = arith.constant 80 : i32
    %scan3A_45 = arith.addi %scan3A_43, %scan3A_44 : i32
    %scan3A_46 = arith.constant 1 : i32
    %scan3A_47 = scf.for %scan3A_63 = %scan3A_43 to %scan3A_45 step %scan3A_46 iter_args(%scan3A_64 = %scan3A_42) -> (i32)  : i32 {
      %swap3A_65 = arith.index_cast %scan3A_63 : i32 to index
      %swap3A_66 = arith.constant 0 : index
      %swap3A_67 = tpu.vector_load %arg12[%swap3A_65, %swap3A_66] {strides = array<i32>} : memref<80x64xf32, #tpu.memory_space<vmem>>, vector<16xf32>,
      tpu.vector_store %arg12[%swap3A_65, %swap3A_66], %broadcast_in_dim3A_5 {strides = array<i32>} : memref<80x64xf32, #tpu.memory_space<vmem>>, vector<16xf32>,
      %swap3A_68 = arith.index_cast %scan3A_63 : i32 to index
      %swap3A_69 = arith.constant 16 : index
      %swap3A_70 = tpu.vector_load %arg12[%swap3A_68, %swap3A_69] {strides = array<i32>} : memref<80x64xf32, #tpu.memory_space<vmem>>, vector<16xf32>,
      tpu.vector_store %arg12[%swap3A_68, %swap3A_69], %broadcast_in_dim3A_5 {strides = array<i32>} : memref<80x64xf32, #tpu.memory_space<vmem>>, vector<16xf32>,
      %swap3A_71 = arith.index_cast %scan3A_63 : i32 to index
      %swap3A_72 = arith.constant 32 : index
      %swap3A_73 = tpu.vector_load %arg12[%swap3A_71, %swap3A_72] {strides = array<i32>} : memref<80x64xf32, #tpu.memory_space<vmem>>, vector<16xf32>,
      tpu.vector_store %arg12[%swap3A_71, %swap3A_72], %broadcast_in_dim3A_5 {strides = array<i32>} : memref<80x64xf32, #tpu.memory_space<vmem>>, vector<16xf32>,
      %swap3A_74 = arith.index_cast %scan3A_63 : i32 to index
      %swap3A_75 = arith.constant 48 : index
      %swap3A_76 = tpu.vector_load %arg12[%swap3A_74, %swap3A_75] {strides = array<i32>} : memref<80x64xf32, #tpu.memory_space<vmem>>, vector<16xf32>,
      tpu.vector_store %arg12[%swap3A_74, %swap3A_75], %broadcast_in_dim3A_5 {strides = array<i32>} : memref<80x64xf32, #tpu.memory_space<vmem>>, vector<16xf32>,
      %scan3A_77 = arith.constant 0 : i32
      scf.yield %scan3A_77 : i32
    }
    %scan3A_48 = arith.constant 80 : i32
    %scan3A_49 = arith.constant 0 : i32
    %scan3A_50 = arith.constant 0 : i32
    %scan3A_51 = arith.constant 8 : i32
    %scan3A_52 = arith.addi %scan3A_50, %scan3A_51 : i32
    %scan3A_53 = arith.constant 1 : i32
    %scan3A_54 = scf.for %scan3A_63 = %scan3A_50 to %scan3A_52 step %scan3A_53 iter_args(%scan3A_64 = %scan3A_49) -> (i32)  : i32 {
      %mul3A_65 = arith.constant 80 : i32
      %mul3A_66 = arith.muli %scan3A_63, %mul3A_65 : i32
      %add3A = arith.addi %mul3A_0, %mul3A_66 : i32
      "tpu.region"() ({
        %run_scoped3A = tpu.sem_alloc : memref<!tpu.dma_semaphore, #tpu.memory_space<semaphore_mem>>
        %dma_start3A = arith.constant 0 : i32
        %dma_start3A_69 = tpu.memref_slice %arg2[%arg0, %add3A, %dma_start3A] : memref<2x10240x64xf32, #tpu.memory_space<hbm>> -> memref<1x80x64xf32, #tpu.memory_space<hbm>>
        %dma_start3A_70 = tpu.memref_squeeze %dma_start3A_69 : memref<1x80x64xf32, #tpu.memory_space<hbm>> -> memref<80x64xf32, #tpu.memory_space<hbm>>
        %dma_start3A_71 = arith.constant 0 : i32
        %dma_start3A_72 = tpu.memref_slice %arg2[%arg0, %add3A, %dma_start3A_71] : memref<2x10240x64xf32, #tpu.memory_space<hbm>> -> memref<1x80x64xf32, #tpu.memory_space<hbm>>
        %dma_start3A_73 = tpu.memref_squeeze %dma_start3A_72 : memref<1x80x64xf32, #tpu.memory_space<hbm>> -> memref<80x64xf32, #tpu.memory_space<hbm>>
        tpu.enqueue_dma source(%dma_start3A_73 : memref<80x64xf32, #tpu.memory_space<hbm>>) target(%arg14 : memref<80x64xf32, #tpu.memory_space<vmem>>) target_semaphore(%run_scoped3A : memref<!tpu.dma_semaphore, #tpu.memory_space<semaphore_mem>>)
        %dma_wait3A = arith.constant 0 : i32
        %dma_wait3A_74 = tpu.memref_slice %arg2[%arg0, %add3A, %dma_wait3A] : memref<2x10240x64xf32, #tpu.memory_space<hbm>> -> memref<1x80x64xf32, #tpu.memory_space<hbm>>
        %dma_wait3A_75 = tpu.memref_squeeze %dma_wait3A_74 : memref<1x80x64xf32, #tpu.memory_space<hbm>> -> memref<80x64xf32, #tpu.memory_space<hbm>>
        %dma_wait3A_76 = arith.constant 0 : i32
        %dma_wait3A_77 = tpu.memref_slice %arg2[%arg0, %add3A, %dma_wait3A_76] : memref<2x10240x64xf32, #tpu.memory_space<hbm>> -> memref<1x80x64xf32, #tpu.memory_space<hbm>>
        %dma_wait3A_78 = tpu.memref_squeeze %dma_wait3A_77 : memref<1x80x64xf32, #tpu.memory_space<hbm>> -> memref<80x64xf32, #tpu.memory_space<hbm>>
        tpu.wait_dma2 semaphore(%run_scoped3A : memref<!tpu.dma_semaphore, #tpu.memory_space<semaphore_mem>>) src(%dma_wait3A_78 : memref<80x64xf32, #tpu.memory_space<hbm>>) dst(%arg14 : memref<80x64xf32, #tpu.memory_space<vmem>>)
        tpu.yield
      }) : () -> ()
      %add3A_67 = arith.addi %mul3A_2, %add3A : i32
      "tpu.region"() ({
        %run_scoped3A = tpu.sem_alloc : memref<!tpu.dma_semaphore, #tpu.memory_space<semaphore_mem>>
        %dma_start3A = arith.constant 0 : i32
        %dma_start3A_69 = tpu.memref_slice %arg5[%add3A_67, %dma_start3A] : memref<20480x64xf32, #tpu.memory_space<hbm>> -> memref<80x64xf32, #tpu.memory_space<hbm>>
        %dma_start3A_70 = arith.constant 0 : i32
        %dma_start3A_71 = tpu.memref_slice %arg5[%add3A_67, %dma_start3A_70] : memref<20480x64xf32, #tpu.memory_space<hbm>> -> memref<80x64xf32, #tpu.memory_space<hbm>>
        tpu.enqueue_dma source(%arg14 : memref<80x64xf32, #tpu.memory_space<vmem>>) target(%dma_start3A_71 : memref<80x64xf32, #tpu.memory_space<hbm>>) target_semaphore(%run_scoped3A : memref<!tpu.dma_semaphore, #tpu.memory_space<semaphore_mem>>)
        %dma_wait3A = arith.constant 0 : i32
        %dma_wait3A_72 = tpu.memref_slice %arg5[%add3A_67, %dma_wait3A] : memref<20480x64xf32, #tpu.memory_space<hbm>> -> memref<80x64xf32, #tpu.memory_space<hbm>>
        %dma_wait3A_73 = arith.constant 0 : i32
        %dma_wait3A_74 = tpu.memref_slice %arg5[%add3A_67, %dma_wait3A_73] : memref<20480x64xf32, #tpu.memory_space<hbm>> -> memref<80x64xf32, #tpu.memory_space<hbm>>
        tpu.wait_dma2 semaphore(%run_scoped3A : memref<!tpu.dma_semaphore, #tpu.memory_space<semaphore_mem>>) src(%arg14 : memref<80x64xf32, #tpu.memory_space<vmem>>) dst(%dma_wait3A_74 : memref<80x64xf32, #tpu.memory_space<hbm>>)
        tpu.yield
      }) : () -> ()
      "tpu.region"() ({
        %run_scoped3A = tpu.sem_alloc : memref<!tpu.dma_semaphore, #tpu.memory_space<semaphore_mem>>
        %dma_start3A = arith.constant 0 : i32
        %dma_start3A_69 = tpu.memref_slice %arg6[%add3A, %dma_start3A] : memref<20480x64xf32, #tpu.memory_space<vmem_shared>> -> memref<80x64xf32, #tpu.memory_space<vmem_shared>>
        %dma_start3A_70 = arith.constant 0 : i32
        %dma_start3A_71 = tpu.memref_slice %arg6[%add3A, %dma_start3A_70] : memref<20480x64xf32, #tpu.memory_space<vmem_shared>> -> memref<80x64xf32, #tpu.memory_space<vmem_shared>>
        tpu.enqueue_dma source(%arg12 : memref<80x64xf32, #tpu.memory_space<vmem>>) target(%dma_start3A_71 : memref<80x64xf32, #tpu.memory_space<vmem_shared>>) target_semaphore(%run_scoped3A : memref<!tpu.dma_semaphore, #tpu.memory_space<semaphore_mem>>)
        %dma_wait3A = arith.constant 0 : i32
        %dma_wait3A_72 = tpu.memref_slice %arg6[%add3A, %dma_wait3A] : memref<20480x64xf32, #tpu.memory_space<vmem_shared>> -> memref<80x64xf32, #tpu.memory_space<vmem_shared>>
        %dma_wait3A_73 = arith.constant 0 : i32
        %dma_wait3A_74 = tpu.memref_slice %arg6[%add3A, %dma_wait3A_73] : memref<20480x64xf32, #tpu.memory_space<vmem_shared>> -> memref<80x64xf32, #tpu.memory_space<vmem_shared>>
        tpu.wait_dma2 semaphore(%run_scoped3A : memref<!tpu.dma_semaphore, #tpu.memory_space<semaphore_mem>>) src(%arg12 : memref<80x64xf32, #tpu.memory_space<vmem>>) dst(%dma_wait3A_74 : memref<80x64xf32, #tpu.memory_space<vmem_shared>>)
        tpu.yield
      }) : () -> ()
      %scan3A_68 = arith.constant 0 : i32
      scf.yield %scan3A_68 : i32
    }
    %scan3A_55 = arith.constant 8 : i32
    %barrier3A_56 = arith.constant 0 : index
    tpu.barrier barrier_id(%barrier3A_56)
    %scan3A_57 = arith.constant 0 : i32
    %scan3A_58 = arith.constant 0 : i32
    %scan3A_59 = arith.constant 16 : i32
    %scan3A_60 = arith.addi %scan3A_58, %scan3A_59 : i32
    %scan3A_61 = arith.constant 1 : i32
    scf.for %scan3A_63 = %scan3A_58 to %scan3A_60 step %scan3A_61  : i32 {
      %run_scoped3A = arith.constant 0 : i32
      "tpu.region"() ({
        %run_scoped3A_106 = tpu.sem_alloc : memref<!tpu.dma_semaphore, #tpu.memory_space<semaphore_mem>>
        %dma_start3A_107 = arith.constant 0 : i32
        %dma_start3A_108 = arith.constant 0 : i32
        %dma_start3A_109 = tpu.memref_slice %arg8[%run_scoped3A, %dma_start3A_107, %dma_start3A_108] : memref<2x16x128xi32, #tpu.memory_space<vmem>> -> memref<1x16x128xi32, #tpu.memory_space<vmem>>
        %dma_start3A_110 = tpu.memref_squeeze %dma_start3A_109 : memref<1x16x128xi32, #tpu.memory_space<vmem>> -> memref<16x128xi32, #tpu.memory_space<vmem>>
        %dma_start3A_111 = arith.constant 0 : i32
        %dma_start3A_112 = arith.constant 0 : i32
        %dma_start3A_113 = tpu.memref_slice %arg3[%arg1, %dma_start3A_111, %dma_start3A_112] : memref<16x160x128xi32, #tpu.memory_space<hbm>> -> memref<1x16x128xi32, #tpu.memory_space<hbm>>
        %dma_start3A_114 = tpu.memref_squeeze %dma_start3A_113 : memref<1x16x128xi32, #tpu.memory_space<hbm>> -> memref<16x128xi32, #tpu.memory_space<hbm>>
        %dma_start3A_115 = arith.constant 0 : i32
        %dma_start3A_116 = arith.constant 0 : i32
        %dma_start3A_117 = tpu.memref_slice %arg8[%run_scoped3A, %dma_start3A_115, %dma_start3A_116] : memref<2x16x128xi32, #tpu.memory_space<vmem>> -> memref<1x16x128xi32, #tpu.memory_space<vmem>>
        %dma_start3A_118 = tpu.memref_squeeze %dma_start3A_117 : memref<1x16x128xi32, #tpu.memory_space<vmem>> -> memref<16x128xi32, #tpu.memory_space<vmem>>
        %dma_start3A_119 = arith.constant 0 : i32
        %dma_start3A_120 = arith.constant 0 : i32
        %dma_start3A_121 = tpu.memref_slice %arg3[%arg1, %dma_start3A_119, %dma_start3A_120] : memref<16x160x128xi32, #tpu.memory_space<hbm>> -> memref<1x16x128xi32, #tpu.memory_space<hbm>>
        %dma_start3A_122 = tpu.memref_squeeze %dma_start3A_121 : memref<1x16x128xi32, #tpu.memory_space<hbm>> -> memref<16x128xi32, #tpu.memory_space<hbm>>
        tpu.enqueue_dma source(%dma_start3A_122 : memref<16x128xi32, #tpu.memory_space<hbm>>) target(%dma_start3A_118 : memref<16x128xi32, #tpu.memory_space<vmem>>) target_semaphore(%run_scoped3A_106 : memref<!tpu.dma_semaphore, #tpu.memory_space<semaphore_mem>>)
        %dma_wait3A_123 = arith.constant 0 : i32
        %dma_wait3A_124 = arith.constant 0 : i32
        %dma_wait3A_125 = tpu.memref_slice %arg8[%run_scoped3A, %dma_wait3A_123, %dma_wait3A_124] : memref<2x16x128xi32, #tpu.memory_space<vmem>> -> memref<1x16x128xi32, #tpu.memory_space<vmem>>
        %dma_wait3A_126 = tpu.memref_squeeze %dma_wait3A_125 : memref<1x16x128xi32, #tpu.memory_space<vmem>> -> memref<16x128xi32, #tpu.memory_space<vmem>>
        %dma_wait3A_127 = arith.constant 0 : i32
        %dma_wait3A_128 = arith.constant 0 : i32
        %dma_wait3A_129 = tpu.memref_slice %arg3[%arg1, %dma_wait3A_127, %dma_wait3A_128] : memref<16x160x128xi32, #tpu.memory_space<hbm>> -> memref<1x16x128xi32, #tpu.memory_space<hbm>>
        %dma_wait3A_130 = tpu.memref_squeeze %dma_wait3A_129 : memref<1x16x128xi32, #tpu.memory_space<hbm>> -> memref<16x128xi32, #tpu.memory_space<hbm>>
        %dma_wait3A_131 = arith.constant 0 : i32
        %dma_wait3A_132 = arith.constant 0 : i32
        %dma_wait3A_133 = tpu.memref_slice %arg8[%run_scoped3A, %dma_wait3A_131, %dma_wait3A_132] : memref<2x16x128xi32, #tpu.memory_space<vmem>> -> memref<1x16x128xi32, #tpu.memory_space<vmem>>
        %dma_wait3A_134 = tpu.memref_squeeze %dma_wait3A_133 : memref<1x16x128xi32, #tpu.memory_space<vmem>> -> memref<16x128xi32, #tpu.memory_space<vmem>>
        %dma_wait3A_135 = arith.constant 0 : i32
        %dma_wait3A_136 = arith.constant 0 : i32
        %dma_wait3A_137 = tpu.memref_slice %arg3[%arg1, %dma_wait3A_135, %dma_wait3A_136] : memref<16x160x128xi32, #tpu.memory_space<hbm>> -> memref<1x16x128xi32, #tpu.memory_space<hbm>>
        %dma_wait3A_138 = tpu.memref_squeeze %dma_wait3A_137 : memref<1x16x128xi32, #tpu.memory_space<hbm>> -> memref<16x128xi32, #tpu.memory_space<hbm>>
        tpu.wait_dma2 semaphore(%run_scoped3A_106 : memref<!tpu.dma_semaphore, #tpu.memory_space<semaphore_mem>>) src(%dma_wait3A_138 : memref<16x128xi32, #tpu.memory_space<hbm>>) dst(%dma_wait3A_134 : memref<16x128xi32, #tpu.memory_space<vmem>>)
        tpu.yield
      }) : () -> ()
      %run_scoped3A_64 = arith.constant 0 : i32
      "tpu.region"() ({
        %run_scoped3A_106 = tpu.sem_alloc : memref<!tpu.dma_semaphore, #tpu.memory_space<semaphore_mem>>
        %dma_start3A_107 = arith.constant 0 : i32
        %dma_start3A_108 = arith.constant 0 : i32
        %dma_start3A_109 = tpu.memref_slice %arg9[%run_scoped3A_64, %dma_start3A_107, %dma_start3A_108] : memref<2x16x128xi32, #tpu.memory_space<vmem>> -> memref<1x16x128xi32, #tpu.memory_space<vmem>>
        %dma_start3A_110 = tpu.memref_squeeze %dma_start3A_109 : memref<1x16x128xi32, #tpu.memory_space<vmem>> -> memref<16x128xi32, #tpu.memory_space<vmem>>
        %dma_start3A_111 = arith.constant 0 : i32
        %dma_start3A_112 = arith.constant 0 : i32
        %dma_start3A_113 = tpu.memref_slice %arg4[%arg0, %arg1, %dma_start3A_111, %dma_start3A_112] : memref<2x16x160x128xi32, #tpu.memory_space<hbm>> -> memref<1x1x16x128xi32, #tpu.memory_space<hbm>>
        %dma_start3A_114 = tpu.memref_squeeze %dma_start3A_113 : memref<1x1x16x128xi32, #tpu.memory_space<hbm>> -> memref<16x128xi32, #tpu.memory_space<hbm>>
        %dma_start3A_115 = arith.constant 0 : i32
        %dma_start3A_116 = arith.constant 0 : i32
        %dma_start3A_117 = tpu.memref_slice %arg9[%run_scoped3A_64, %dma_start3A_115, %dma_start3A_116] : memref<2x16x128xi32, #tpu.memory_space<vmem>> -> memref<1x16x128xi32, #tpu.memory_space<vmem>>
        %dma_start3A_118 = tpu.memref_squeeze %dma_start3A_117 : memref<1x16x128xi32, #tpu.memory_space<vmem>> -> memref<16x128xi32, #tpu.memory_space<vmem>>
        %dma_start3A_119 = arith.constant 0 : i32
        %dma_start3A_120 = arith.constant 0 : i32
        %dma_start3A_121 = tpu.memref_slice %arg4[%arg0, %arg1, %dma_start3A_119, %dma_start3A_120] : memref<2x16x160x128xi32, #tpu.memory_space<hbm>> -> memref<1x1x16x128xi32, #tpu.memory_space<hbm>>
        %dma_start3A_122 = tpu.memref_squeeze %dma_start3A_121 : memref<1x1x16x128xi32, #tpu.memory_space<hbm>> -> memref<16x128xi32, #tpu.memory_space<hbm>>
        tpu.enqueue_dma source(%dma_start3A_122 : memref<16x128xi32, #tpu.memory_space<hbm>>) target(%dma_start3A_118 : memref<16x128xi32, #tpu.memory_space<vmem>>) target_semaphore(%run_scoped3A_106 : memref<!tpu.dma_semaphore, #tpu.memory_space<semaphore_mem>>)
        %dma_wait3A_123 = arith.constant 0 : i32
        %dma_wait3A_124 = arith.constant 0 : i32
        %dma_wait3A_125 = tpu.memref_slice %arg9[%run_scoped3A_64, %dma_wait3A_123, %dma_wait3A_124] : memref<2x16x128xi32, #tpu.memory_space<vmem>> -> memref<1x16x128xi32, #tpu.memory_space<vmem>>
        %dma_wait3A_126 = tpu.memref_squeeze %dma_wait3A_125 : memref<1x16x128xi32, #tpu.memory_space<vmem>> -> memref<16x128xi32, #tpu.memory_space<vmem>>
        %dma_wait3A_127 = arith.constant 0 : i32
        %dma_wait3A_128 = arith.constant 0 : i32
        %dma_wait3A_129 = tpu.memref_slice %arg4[%arg0, %arg1, %dma_wait3A_127, %dma_wait3A_128] : memref<2x16x160x128xi32, #tpu.memory_space<hbm>> -> memref<1x1x16x128xi32, #tpu.memory_space<hbm>>
        %dma_wait3A_130 = tpu.memref_squeeze %dma_wait3A_129 : memref<1x1x16x128xi32, #tpu.memory_space<hbm>> -> memref<16x128xi32, #tpu.memory_space<hbm>>
        %dma_wait3A_131 = arith.constant 0 : i32
        %dma_wait3A_132 = arith.constant 0 : i32
        %dma_wait3A_133 = tpu.memref_slice %arg9[%run_scoped3A_64, %dma_wait3A_131, %dma_wait3A_132] : memref<2x16x128xi32, #tpu.memory_space<vmem>> -> memref<1x16x128xi32, #tpu.memory_space<vmem>>
        %dma_wait3A_134 = tpu.memref_squeeze %dma_wait3A_133 : memref<1x16x128xi32, #tpu.memory_space<vmem>> -> memref<16x128xi32, #tpu.memory_space<vmem>>
        %dma_wait3A_135 = arith.constant 0 : i32
        %dma_wait3A_136 = arith.constant 0 : i32
        %dma_wait3A_137 = tpu.memref_slice %arg4[%arg0, %arg1, %dma_wait3A_135, %dma_wait3A_136] : memref<2x16x160x128xi32, #tpu.memory_space<hbm>> -> memref<1x1x16x128xi32, #tpu.memory_space<hbm>>
        %dma_wait3A_138 = tpu.memref_squeeze %dma_wait3A_137 : memref<1x1x16x128xi32, #tpu.memory_space<hbm>> -> memref<16x128xi32, #tpu.memory_space<hbm>>
        tpu.wait_dma2 semaphore(%run_scoped3A_106 : memref<!tpu.dma_semaphore, #tpu.memory_space<semaphore_mem>>) src(%dma_wait3A_138 : memref<16x128xi32, #tpu.memory_space<hbm>>) dst(%dma_wait3A_134 : memref<16x128xi32, #tpu.memory_space<vmem>>)
        tpu.yield
      }) : () -> ()
      %dma_start3A = arith.constant 0 : i32
      %dma_start3A_65 = arith.constant 0 : i32
      %dma_start3A_66 = arith.constant 0 : i32
      %dma_start3A_67 = tpu.memref_slice %arg9[%dma_start3A, %dma_start3A_65, %dma_start3A_66] : memref<2x16x128xi32, #tpu.memory_space<vmem>> -> memref<1x1x128xi32, #tpu.memory_space<vmem>>
      %dma_start3A_68 = tpu.memref_squeeze %dma_start3A_67 : memref<1x1x128xi32, #tpu.memory_space<vmem>> -> memref<128xi32, #tpu.memory_space<vmem>>
      %dma_start3A_69 = arith.constant 0 : i32
      %dma_start3A_70 = arith.constant 0 : i32
      %dma_start3A_71 = tpu.memref_slice %arg5[%dma_start3A_69, %dma_start3A_70] : memref<20480x64xf32, #tpu.memory_space<hbm>> -> memref<20480x64xf32, #tpu.memory_space<hbm>>
      tpu.enqueue_indirect_dma source(%dma_start3A_71 : memref<20480x64xf32, #tpu.memory_space<hbm>>) target(%arg10 : memref<128x64xf32, #tpu.memory_space<vmem>>) offsets(%dma_start3A_68 : memref<128xi32, #tpu.memory_space<vmem>>) semaphore(%arg18 : memref<!tpu.dma_semaphore, #tpu.memory_space<semaphore_mem>>)
      %scan3A_72 = arith.constant 0 : i32
      %scan3A_73 = arith.constant 0 : i32
      %scan3A_74 = arith.constant 80 : i32
      %scan3A_75 = arith.addi %scan3A_73, %scan3A_74 : i32
      %scan3A_76 = arith.constant 1 : i32
      %scan3A_77 = scf.for %scan3A_106 = %scan3A_73 to %scan3A_75 step %scan3A_76 iter_args(%scan3A_107 = %scan3A_72) -> (i32)  : i32 {
        %mul3A_108 = arith.constant 2 : i32
        %mul3A_109 = arith.muli %mul3A_108, %scan3A_106 : i32
        %add3A_110 = arith.constant 0 : i32
        %add3A_111 = arith.addi %mul3A_109, %add3A_110 : i32
        %jit3A = arith.constant 16 : i32
        %div3A = arith.divsi %add3A_111, %jit3A : i32
        %sign3A = arith.constant 0 : i32
        %sign3A_112 = arith.cmpi sgt, %add3A_111, %sign3A : i32
        %sign3A_113 = arith.extui %sign3A_112 : i1 to i32
        %sign3A_114 = arith.constant 0 : i32
        %sign3A_115 = arith.cmpi slt, %add3A_111, %sign3A_114 : i32
        %sign3A_116 = arith.extui %sign3A_115 : i1 to i32
        %sign3A_117 = arith.subi %sign3A_113, %sign3A_116 : i32
        %sign3A_118 = arith.constant 0 : i32
        %sign3A_119 = arith.cmpi sgt, %jit3A, %sign3A_118 : i32
        %sign3A_120 = arith.extui %sign3A_119 : i1 to i32
        %sign3A_121 = arith.constant 0 : i32
        %sign3A_122 = arith.cmpi slt, %jit3A, %sign3A_121 : i32
        %sign3A_123 = arith.extui %sign3A_122 : i1 to i32
        %sign3A_124 = arith.subi %sign3A_120, %sign3A_123 : i32
        %ne3A = arith.cmpi ne, %sign3A_117, %sign3A_124 : i32
        %rem3A = arith.remsi %add3A_111, %jit3A : i32
        %ne3A_125 = arith.constant 0 : i32
        %ne3A_126 = arith.cmpi ne, %rem3A, %ne3A_125 : i32
        %and3A_127 = arith.andi %ne3A, %ne3A_126 : i1
        %sub3A = arith.constant 1 : i32
        %sub3A_128 = arith.subi %div3A, %sub3A : i32
        %select_n3A = arith.select %and3A_127, %sub3A_128, %div3A : i32
        %mul3A_129 = arith.constant 16 : i32
        %mul3A_130 = arith.muli %select_n3A, %mul3A_129 : i32
        %sub3A_131 = arith.subi %add3A_111, %mul3A_130 : i32
        %and3A_132 = arith.constant 1 : i32
        %and3A_133 = arith.andi %select_n3A, %and3A_132 : i32
        %dma_wait3A_134 = arith.constant 0 : i32
        %dma_wait3A_135 = tpu.memref_slice %arg9[%and3A_133, %sub3A_131, %dma_wait3A_134] : memref<2x16x128xi32, #tpu.memory_space<vmem>> -> memref<1x1x128xi32, #tpu.memory_space<vmem>>
        %dma_wait3A_136 = tpu.memref_squeeze %dma_wait3A_135 : memref<1x1x128xi32, #tpu.memory_space<vmem>> -> memref<128xi32, #tpu.memory_space<vmem>>
        %dma_wait3A_137 = arith.constant 0 : i32
        %dma_wait3A_138 = arith.constant 0 : i32
        %dma_wait3A_139 = tpu.memref_slice %arg5[%dma_wait3A_137, %dma_wait3A_138] : memref<20480x64xf32, #tpu.memory_space<hbm>> -> memref<20480x64xf32, #tpu.memory_space<hbm>>
        tpu.wait_indirect_dma semaphore(%arg18 : memref<!tpu.dma_semaphore, #tpu.memory_space<semaphore_mem>>) src(%dma_wait3A_139 : memref<20480x64xf32, #tpu.memory_space<hbm>>) dst(%arg10 : memref<128x64xf32, #tpu.memory_space<vmem>>)
        %dma_start3A_140 = arith.constant 0 : i32
        %dma_start3A_141 = tpu.memref_slice %arg8[%and3A_133, %sub3A_131, %dma_start3A_140] : memref<2x16x128xi32, #tpu.memory_space<vmem>> -> memref<1x1x128xi32, #tpu.memory_space<vmem>>
        %dma_start3A_142 = tpu.memref_squeeze %dma_start3A_141 : memref<1x1x128xi32, #tpu.memory_space<vmem>> -> memref<128xi32, #tpu.memory_space<vmem>>
        %dma_start3A_143 = arith.constant 0 : i32
        %dma_start3A_144 = arith.constant 0 : i32
        %dma_start3A_145 = tpu.memref_slice %arg6[%dma_start3A_143, %dma_start3A_144] : memref<20480x64xf32, #tpu.memory_space<vmem_shared>> -> memref<20480x64xf32, #tpu.memory_space<vmem_shared>>
        tpu.enqueue_indirect_dma source(%arg10 : memref<128x64xf32, #tpu.memory_space<vmem>>) target(%dma_start3A_145 : memref<20480x64xf32, #tpu.memory_space<vmem_shared>>) offsets(%dma_start3A_142 : memref<128xi32, #tpu.memory_space<vmem>>) semaphore(%arg20 : memref<!tpu.dma_semaphore, #tpu.memory_space<semaphore_mem>>) {add = true}
        %eq3A = arith.constant 8 : i32
        %eq3A_146 = arith.cmpi eq, %sub3A_131, %eq3A : i32
        %add3A_147 = arith.constant 1 : i32
        %add3A_148 = arith.addi %select_n3A, %add3A_147 : i32
        %lt3A = arith.constant 10 : i32
        %lt3A_149 = arith.cmpi slt, %add3A_148, %lt3A : i32
        %and3A_150 = arith.andi %eq3A_146, %lt3A_149 : i1
        %convert_element_type3A = arith.extui %and3A_150 : i1 to i32
        %cond3A = arith.constant 0 : i32
        %cond3A_151 = arith.cmpi ne, %convert_element_type3A, %cond3A : i32
        scf.if %cond3A_151 {
          %xor3A = arith.constant 1 : i32
          %xor3A_251 = arith.xori %and3A_133, %xor3A : i32
          %add3A_252 = arith.constant 1 : i32
          %add3A_253 = arith.addi %select_n3A, %add3A_252 : i32
          %mul3A_254 = arith.constant 16 : i32
          %mul3A_255 = arith.muli %add3A_253, %mul3A_254 : i32
          %dma_start3A_256 = arith.constant 0 : i32
          %dma_start3A_257 = arith.constant 0 : i32
          %dma_start3A_258 = tpu.memref_slice %arg8[%xor3A_251, %dma_start3A_256, %dma_start3A_257] : memref<2x16x128xi32, #tpu.memory_space<vmem>> -> memref<1x16x128xi32, #tpu.memory_space<vmem>>
          %dma_start3A_259 = tpu.memref_squeeze %dma_start3A_258 : memref<1x16x128xi32, #tpu.memory_space<vmem>> -> memref<16x128xi32, #tpu.memory_space<vmem>>
          %dma_start3A_260 = arith.constant 0 : i32
          %dma_start3A_261 = tpu.memref_slice %arg3[%arg1, %mul3A_255, %dma_start3A_260] : memref<16x160x128xi32, #tpu.memory_space<hbm>> -> memref<1x16x128xi32, #tpu.memory_space<hbm>>
          %dma_start3A_262 = tpu.memref_squeeze %dma_start3A_261 : memref<1x16x128xi32, #tpu.memory_space<hbm>> -> memref<16x128xi32, #tpu.memory_space<hbm>>
          %dma_start3A_263 = arith.constant 0 : i32
          %dma_start3A_264 = arith.constant 0 : i32
          %dma_start3A_265 = tpu.memref_slice %arg8[%xor3A_251, %dma_start3A_263, %dma_start3A_264] : memref<2x16x128xi32, #tpu.memory_space<vmem>> -> memref<1x16x128xi32, #tpu.memory_space<vmem>>
          %dma_start3A_266 = tpu.memref_squeeze %dma_start3A_265 : memref<1x16x128xi32, #tpu.memory_space<vmem>> -> memref<16x128xi32, #tpu.memory_space<vmem>>
          %dma_start3A_267 = arith.constant 0 : i32
          %dma_start3A_268 = tpu.memref_slice %arg3[%arg1, %mul3A_255, %dma_start3A_267] : memref<16x160x128xi32, #tpu.memory_space<hbm>> -> memref<1x16x128xi32, #tpu.memory_space<hbm>>
          %dma_start3A_269 = tpu.memref_squeeze %dma_start3A_268 : memref<1x16x128xi32, #tpu.memory_space<hbm>> -> memref<16x128xi32, #tpu.memory_space<hbm>>
          tpu.enqueue_dma source(%dma_start3A_269 : memref<16x128xi32, #tpu.memory_space<hbm>>) target(%dma_start3A_266 : memref<16x128xi32, #tpu.memory_space<vmem>>) target_semaphore(%arg22 : memref<!tpu.dma_semaphore, #tpu.memory_space<semaphore_mem>>)
          %dma_start3A_270 = arith.constant 0 : i32
          %dma_start3A_271 = arith.constant 0 : i32
          %dma_start3A_272 = tpu.memref_slice %arg9[%xor3A_251, %dma_start3A_270, %dma_start3A_271] : memref<2x16x128xi32, #tpu.memory_space<vmem>> -> memref<1x16x128xi32, #tpu.memory_space<vmem>>
          %dma_start3A_273 = tpu.memref_squeeze %dma_start3A_272 : memref<1x16x128xi32, #tpu.memory_space<vmem>> -> memref<16x128xi32, #tpu.memory_space<vmem>>
          %dma_start3A_274 = arith.constant 0 : i32
          %dma_start3A_275 = tpu.memref_slice %arg4[%arg0, %arg1, %mul3A_255, %dma_start3A_274] : memref<2x16x160x128xi32, #tpu.memory_space<hbm>> -> memref<1x1x16x128xi32, #tpu.memory_space<hbm>>
          %dma_start3A_276 = tpu.memref_squeeze %dma_start3A_275 : memref<1x1x16x128xi32, #tpu.memory_space<hbm>> -> memref<16x128xi32, #tpu.memory_space<hbm>>
          %dma_start3A_277 = arith.constant 0 : i32
          %dma_start3A_278 = arith.constant 0 : i32
          %dma_start3A_279 = tpu.memref_slice %arg9[%xor3A_251, %dma_start3A_277, %dma_start3A_278] : memref<2x16x128xi32, #tpu.memory_space<vmem>> -> memref<1x16x128xi32, #tpu.memory_space<vmem>>
          %dma_start3A_280 = tpu.memref_squeeze %dma_start3A_279 : memref<1x16x128xi32, #tpu.memory_space<vmem>> -> memref<16x128xi32, #tpu.memory_space<vmem>>
          %dma_start3A_281 = arith.constant 0 : i32
          %dma_start3A_282 = tpu.memref_slice %arg4[%arg0, %arg1, %mul3A_255, %dma_start3A_281] : memref<2x16x160x128xi32, #tpu.memory_space<hbm>> -> memref<1x1x16x128xi32, #tpu.memory_space<hbm>>
          %dma_start3A_283 = tpu.memref_squeeze %dma_start3A_282 : memref<1x1x16x128xi32, #tpu.memory_space<hbm>> -> memref<16x128xi32, #tpu.memory_space<hbm>>
          tpu.enqueue_dma source(%dma_start3A_283 : memref<16x128xi32, #tpu.memory_space<hbm>>) target(%dma_start3A_280 : memref<16x128xi32, #tpu.memory_space<vmem>>) target_semaphore(%arg23 : memref<!tpu.dma_semaphore, #tpu.memory_space<semaphore_mem>>)
        } else {
        }
        %eq3A_152 = arith.constant 15 : i32
        %eq3A_153 = arith.cmpi eq, %sub3A_131, %eq3A_152 : i32
        %add3A_154 = arith.constant 1 : i32
        %add3A_155 = arith.addi %select_n3A, %add3A_154 : i32
        %lt3A_156 = arith.constant 10 : i32
        %lt3A_157 = arith.cmpi slt, %add3A_155, %lt3A_156 : i32
        %and3A_158 = arith.andi %eq3A_153, %lt3A_157 : i1
        %convert_element_type3A_159 = arith.extui %and3A_158 : i1 to i32
        %cond3A_160 = arith.constant 0 : i32
        %cond3A_161 = arith.cmpi ne, %convert_element_type3A_159, %cond3A_160 : i32
        scf.if %cond3A_161 {
          %xor3A = arith.constant 1 : i32
          %xor3A_251 = arith.xori %and3A_133, %xor3A : i32
          %add3A_252 = arith.constant 1 : i32
          %add3A_253 = arith.addi %select_n3A, %add3A_252 : i32
          %mul3A_254 = arith.constant 16 : i32
          %mul3A_255 = arith.muli %add3A_253, %mul3A_254 : i32
          %dma_wait3A_256 = arith.constant 0 : i32
          %dma_wait3A_257 = arith.constant 0 : i32
          %dma_wait3A_258 = tpu.memref_slice %arg8[%xor3A_251, %dma_wait3A_256, %dma_wait3A_257] : memref<2x16x128xi32, #tpu.memory_space<vmem>> -> memref<1x16x128xi32, #tpu.memory_space<vmem>>
          %dma_wait3A_259 = tpu.memref_squeeze %dma_wait3A_258 : memref<1x16x128xi32, #tpu.memory_space<vmem>> -> memref<16x128xi32, #tpu.memory_space<vmem>>
          %dma_wait3A_260 = arith.constant 0 : i32
          %dma_wait3A_261 = tpu.memref_slice %arg3[%arg1, %mul3A_255, %dma_wait3A_260] : memref<16x160x128xi32, #tpu.memory_space<hbm>> -> memref<1x16x128xi32, #tpu.memory_space<hbm>>
          %dma_wait3A_262 = tpu.memref_squeeze %dma_wait3A_261 : memref<1x16x128xi32, #tpu.memory_space<hbm>> -> memref<16x128xi32, #tpu.memory_space<hbm>>
          %dma_wait3A_263 = arith.constant 0 : i32
          %dma_wait3A_264 = arith.constant 0 : i32
          %dma_wait3A_265 = tpu.memref_slice %arg8[%xor3A_251, %dma_wait3A_263, %dma_wait3A_264] : memref<2x16x128xi32, #tpu.memory_space<vmem>> -> memref<1x16x128xi32, #tpu.memory_space<vmem>>
          %dma_wait3A_266 = tpu.memref_squeeze %dma_wait3A_265 : memref<1x16x128xi32, #tpu.memory_space<vmem>> -> memref<16x128xi32, #tpu.memory_space<vmem>>
          %dma_wait3A_267 = arith.constant 0 : i32
          %dma_wait3A_268 = tpu.memref_slice %arg3[%arg1, %mul3A_255, %dma_wait3A_267] : memref<16x160x128xi32, #tpu.memory_space<hbm>> -> memref<1x16x128xi32, #tpu.memory_space<hbm>>
          %dma_wait3A_269 = tpu.memref_squeeze %dma_wait3A_268 : memref<1x16x128xi32, #tpu.memory_space<hbm>> -> memref<16x128xi32, #tpu.memory_space<hbm>>
          tpu.wait_dma2 semaphore(%arg22 : memref<!tpu.dma_semaphore, #tpu.memory_space<semaphore_mem>>) src(%dma_wait3A_269 : memref<16x128xi32, #tpu.memory_space<hbm>>) dst(%dma_wait3A_266 : memref<16x128xi32, #tpu.memory_space<vmem>>)
          %dma_wait3A_270 = arith.constant 0 : i32
          %dma_wait3A_271 = arith.constant 0 : i32
          %dma_wait3A_272 = tpu.memref_slice %arg9[%xor3A_251, %dma_wait3A_270, %dma_wait3A_271] : memref<2x16x128xi32, #tpu.memory_space<vmem>> -> memref<1x16x128xi32, #tpu.memory_space<vmem>>
          %dma_wait3A_273 = tpu.memref_squeeze %dma_wait3A_272 : memref<1x16x128xi32, #tpu.memory_space<vmem>> -> memref<16x128xi32, #tpu.memory_space<vmem>>
          %dma_wait3A_274 = arith.constant 0 : i32
          %dma_wait3A_275 = tpu.memref_slice %arg4[%arg0, %arg1, %mul3A_255, %dma_wait3A_274] : memref<2x16x160x128xi32, #tpu.memory_space<hbm>> -> memref<1x1x16x128xi32, #tpu.memory_space<hbm>>
          %dma_wait3A_276 = tpu.memref_squeeze %dma_wait3A_275 : memref<1x1x16x128xi32, #tpu.memory_space<hbm>> -> memref<16x128xi32, #tpu.memory_space<hbm>>
          %dma_wait3A_277 = arith.constant 0 : i32
          %dma_wait3A_278 = arith.constant 0 : i32
          %dma_wait3A_279 = tpu.memref_slice %arg9[%xor3A_251, %dma_wait3A_277, %dma_wait3A_278] : memref<2x16x128xi32, #tpu.memory_space<vmem>> -> memref<1x16x128xi32, #tpu.memory_space<vmem>>
          %dma_wait3A_280 = tpu.memref_squeeze %dma_wait3A_279 : memref<1x16x128xi32, #tpu.memory_space<vmem>> -> memref<16x128xi32, #tpu.memory_space<vmem>>
          %dma_wait3A_281 = arith.constant 0 : i32
          %dma_wait3A_282 = tpu.memref_slice %arg4[%arg0, %arg1, %mul3A_255, %dma_wait3A_281] : memref<2x16x160x128xi32, #tpu.memory_space<hbm>> -> memref<1x1x16x128xi32, #tpu.memory_space<hbm>>
          %dma_wait3A_283 = tpu.memref_squeeze %dma_wait3A_282 : memref<1x1x16x128xi32, #tpu.memory_space<hbm>> -> memref<16x128xi32, #tpu.memory_space<hbm>>
          tpu.wait_dma2 semaphore(%arg23 : memref<!tpu.dma_semaphore, #tpu.memory_space<semaphore_mem>>) src(%dma_wait3A_283 : memref<16x128xi32, #tpu.memory_space<hbm>>) dst(%dma_wait3A_280 : memref<16x128xi32, #tpu.memory_space<vmem>>)
        } else {
        }
        %gt3A = arith.constant 0 : i32
        %gt3A_162 = arith.cmpi sgt, %add3A_111, %gt3A : i32
        %convert_element_type3A_163 = arith.extui %gt3A_162 : i1 to i32
        %cond3A_164 = arith.constant 0 : i32
        %cond3A_165 = arith.cmpi ne, %convert_element_type3A_163, %cond3A_164 : i32
        scf.if %cond3A_165 {
          %dma_wait3A_251 = arith.constant 0 : i32
          %dma_wait3A_252 = tpu.memref_slice %arg8[%and3A_133, %sub3A_131, %dma_wait3A_251] : memref<2x16x128xi32, #tpu.memory_space<vmem>> -> memref<1x1x128xi32, #tpu.memory_space<vmem>>
          %dma_wait3A_253 = tpu.memref_squeeze %dma_wait3A_252 : memref<1x1x128xi32, #tpu.memory_space<vmem>> -> memref<128xi32, #tpu.memory_space<vmem>>
          %dma_wait3A_254 = arith.constant 0 : i32
          %dma_wait3A_255 = arith.constant 0 : i32
          %dma_wait3A_256 = tpu.memref_slice %arg6[%dma_wait3A_254, %dma_wait3A_255] : memref<20480x64xf32, #tpu.memory_space<vmem_shared>> -> memref<20480x64xf32, #tpu.memory_space<vmem_shared>>
          tpu.wait_indirect_dma semaphore(%arg21 : memref<!tpu.dma_semaphore, #tpu.memory_space<semaphore_mem>>) src(%arg11 : memref<128x64xf32, #tpu.memory_space<vmem>>) dst(%dma_wait3A_256 : memref<20480x64xf32, #tpu.memory_space<vmem_shared>>)
        } else {
        }
        %add3A_166 = arith.constant 1 : i32
        %add3A_167 = arith.addi %add3A_111, %add3A_166 : i32
        %lt3A_168 = arith.constant 160 : i32
        %lt3A_169 = arith.cmpi slt, %add3A_167, %lt3A_168 : i32
        %convert_element_type3A_170 = arith.extui %lt3A_169 : i1 to i32
        %cond3A_171 = arith.constant 0 : i32
        %cond3A_172 = arith.cmpi ne, %convert_element_type3A_170, %cond3A_171 : i32
        scf.if %cond3A_172 {
          %add3A_251 = arith.constant 1 : i32
          %add3A_252 = arith.addi %add3A_111, %add3A_251 : i32
          %jit3A_253 = arith.constant 16 : i32
          %div3A_254 = arith.divsi %add3A_252, %jit3A_253 : i32
          %sign3A_255 = arith.constant 0 : i32
          %sign3A_256 = arith.cmpi sgt, %add3A_252, %sign3A_255 : i32
          %sign3A_257 = arith.extui %sign3A_256 : i1 to i32
          %sign3A_258 = arith.constant 0 : i32
          %sign3A_259 = arith.cmpi slt, %add3A_252, %sign3A_258 : i32
          %sign3A_260 = arith.extui %sign3A_259 : i1 to i32
          %sign3A_261 = arith.subi %sign3A_257, %sign3A_260 : i32
          %sign3A_262 = arith.constant 0 : i32
          %sign3A_263 = arith.cmpi sgt, %jit3A_253, %sign3A_262 : i32
          %sign3A_264 = arith.extui %sign3A_263 : i1 to i32
          %sign3A_265 = arith.constant 0 : i32
          %sign3A_266 = arith.cmpi slt, %jit3A_253, %sign3A_265 : i32
          %sign3A_267 = arith.extui %sign3A_266 : i1 to i32
          %sign3A_268 = arith.subi %sign3A_264, %sign3A_267 : i32
          %ne3A_269 = arith.cmpi ne, %sign3A_261, %sign3A_268 : i32
          %rem3A_270 = arith.remsi %add3A_252, %jit3A_253 : i32
          %ne3A_271 = arith.constant 0 : i32
          %ne3A_272 = arith.cmpi ne, %rem3A_270, %ne3A_271 : i32
          %and3A_273 = arith.andi %ne3A_269, %ne3A_272 : i1
          %sub3A_274 = arith.constant 1 : i32
          %sub3A_275 = arith.subi %div3A_254, %sub3A_274 : i32
          %select_n3A_276 = arith.select %and3A_273, %sub3A_275, %div3A_254 : i32
          %mul3A_277 = arith.constant 16 : i32
          %mul3A_278 = arith.muli %select_n3A_276, %mul3A_277 : i32
          %sub3A_279 = arith.subi %add3A_252, %mul3A_278 : i32
          %and3A_280 = arith.constant 1 : i32
          %and3A_281 = arith.andi %select_n3A_276, %and3A_280 : i32
          %dma_start3A_282 = arith.constant 0 : i32
          %dma_start3A_283 = tpu.memref_slice %arg9[%and3A_281, %sub3A_279, %dma_start3A_282] : memref<2x16x128xi32, #tpu.memory_space<vmem>> -> memref<1x1x128xi32, #tpu.memory_space<vmem>>
          %dma_start3A_284 = tpu.memref_squeeze %dma_start3A_283 : memref<1x1x128xi32, #tpu.memory_space<vmem>> -> memref<128xi32, #tpu.memory_space<vmem>>
          %dma_start3A_285 = arith.constant 0 : i32
          %dma_start3A_286 = arith.constant 0 : i32
          %dma_start3A_287 = tpu.memref_slice %arg5[%dma_start3A_285, %dma_start3A_286] : memref<20480x64xf32, #tpu.memory_space<hbm>> -> memref<20480x64xf32, #tpu.memory_space<hbm>>
          tpu.enqueue_indirect_dma source(%dma_start3A_287 : memref<20480x64xf32, #tpu.memory_space<hbm>>) target(%arg11 : memref<128x64xf32, #tpu.memory_space<vmem>>) offsets(%dma_start3A_284 : memref<128xi32, #tpu.memory_space<vmem>>) semaphore(%arg19 : memref<!tpu.dma_semaphore, #tpu.memory_space<semaphore_mem>>)
        } else {
        }
        %mul3A_173 = arith.constant 2 : i32
        %mul3A_174 = arith.muli %mul3A_173, %scan3A_106 : i32
        %add3A_175 = arith.constant 1 : i32
        %add3A_176 = arith.addi %mul3A_174, %add3A_175 : i32
        %jit3A_177 = arith.constant 16 : i32
        %div3A_178 = arith.divsi %add3A_176, %jit3A_177 : i32
        %sign3A_179 = arith.constant 0 : i32
        %sign3A_180 = arith.cmpi sgt, %add3A_176, %sign3A_179 : i32
        %sign3A_181 = arith.extui %sign3A_180 : i1 to i32
        %sign3A_182 = arith.constant 0 : i32
        %sign3A_183 = arith.cmpi slt, %add3A_176, %sign3A_182 : i32
        %sign3A_184 = arith.extui %sign3A_183 : i1 to i32
        %sign3A_185 = arith.subi %sign3A_181, %sign3A_184 : i32
        %sign3A_186 = arith.constant 0 : i32
        %sign3A_187 = arith.cmpi sgt, %jit3A_177, %sign3A_186 : i32
        %sign3A_188 = arith.extui %sign3A_187 : i1 to i32
        %sign3A_189 = arith.constant 0 : i32
        %sign3A_190 = arith.cmpi slt, %jit3A_177, %sign3A_189 : i32
        %sign3A_191 = arith.extui %sign3A_190 : i1 to i32
        %sign3A_192 = arith.subi %sign3A_188, %sign3A_191 : i32
        %ne3A_193 = arith.cmpi ne, %sign3A_185, %sign3A_192 : i32
        %rem3A_194 = arith.remsi %add3A_176, %jit3A_177 : i32
        %ne3A_195 = arith.constant 0 : i32
        %ne3A_196 = arith.cmpi ne, %rem3A_194, %ne3A_195 : i32
        %and3A_197 = arith.andi %ne3A_193, %ne3A_196 : i1
        %sub3A_198 = arith.constant 1 : i32
        %sub3A_199 = arith.subi %div3A_178, %sub3A_198 : i32
        %select_n3A_200 = arith.select %and3A_197, %sub3A_199, %div3A_178 : i32
        %mul3A_201 = arith.constant 16 : i32
        %mul3A_202 = arith.muli %select_n3A_200, %mul3A_201 : i32
        %sub3A_203 = arith.subi %add3A_176, %mul3A_202 : i32
        %and3A_204 = arith.constant 1 : i32
        %and3A_205 = arith.andi %select_n3A_200, %and3A_204 : i32
        %dma_wait3A_206 = arith.constant 0 : i32
        %dma_wait3A_207 = tpu.memref_slice %arg9[%and3A_205, %sub3A_203, %dma_wait3A_206] : memref<2x16x128xi32, #tpu.memory_space<vmem>> -> memref<1x1x128xi32, #tpu.memory_space<vmem>>
        %dma_wait3A_208 = tpu.memref_squeeze %dma_wait3A_207 : memref<1x1x128xi32, #tpu.memory_space<vmem>> -> memref<128xi32, #tpu.memory_space<vmem>>
        %dma_wait3A_209 = arith.constant 0 : i32
        %dma_wait3A_210 = arith.constant 0 : i32
        %dma_wait3A_211 = tpu.memref_slice %arg5[%dma_wait3A_209, %dma_wait3A_210] : memref<20480x64xf32, #tpu.memory_space<hbm>> -> memref<20480x64xf32, #tpu.memory_space<hbm>>
        tpu.wait_indirect_dma semaphore(%arg19 : memref<!tpu.dma_semaphore, #tpu.memory_space<semaphore_mem>>) src(%dma_wait3A_211 : memref<20480x64xf32, #tpu.memory_space<hbm>>) dst(%arg11 : memref<128x64xf32, #tpu.memory_space<vmem>>)
        %dma_start3A_212 = arith.constant 0 : i32
        %dma_start3A_213 = tpu.memref_slice %arg8[%and3A_205, %sub3A_203, %dma_start3A_212] : memref<2x16x128xi32, #tpu.memory_space<vmem>> -> memref<1x1x128xi32, #tpu.memory_space<vmem>>
        %dma_start3A_214 = tpu.memref_squeeze %dma_start3A_213 : memref<1x1x128xi32, #tpu.memory_space<vmem>> -> memref<128xi32, #tpu.memory_space<vmem>>
        %dma_start3A_215 = arith.constant 0 : i32
        %dma_start3A_216 = arith.constant 0 : i32
        %dma_start3A_217 = tpu.memref_slice %arg6[%dma_start3A_215, %dma_start3A_216] : memref<20480x64xf32, #tpu.memory_space<vmem_shared>> -> memref<20480x64xf32, #tpu.memory_space<vmem_shared>>
        tpu.enqueue_indirect_dma source(%arg11 : memref<128x64xf32, #tpu.memory_space<vmem>>) target(%dma_start3A_217 : memref<20480x64xf32, #tpu.memory_space<vmem_shared>>) offsets(%dma_start3A_214 : memref<128xi32, #tpu.memory_space<vmem>>) semaphore(%arg21 : memref<!tpu.dma_semaphore, #tpu.memory_space<semaphore_mem>>) {add = true}
        %eq3A_218 = arith.constant 8 : i32
        %eq3A_219 = arith.cmpi eq, %sub3A_203, %eq3A_218 : i32
        %add3A_220 = arith.constant 1 : i32
        %add3A_221 = arith.addi %select_n3A_200, %add3A_220 : i32
        %lt3A_222 = arith.constant 10 : i32
        %lt3A_223 = arith.cmpi slt, %add3A_221, %lt3A_222 : i32
        %and3A_224 = arith.andi %eq3A_219, %lt3A_223 : i1
        %convert_element_type3A_225 = arith.extui %and3A_224 : i1 to i32
        %cond3A_226 = arith.constant 0 : i32
        %cond3A_227 = arith.cmpi ne, %convert_element_type3A_225, %cond3A_226 : i32
        scf.if %cond3A_227 {
          %xor3A = arith.constant 1 : i32
          %xor3A_251 = arith.xori %and3A_205, %xor3A : i32
          %add3A_252 = arith.constant 1 : i32
          %add3A_253 = arith.addi %select_n3A_200, %add3A_252 : i32
          %mul3A_254 = arith.constant 16 : i32
          %mul3A_255 = arith.muli %add3A_253, %mul3A_254 : i32
          %dma_start3A_256 = arith.constant 0 : i32
          %dma_start3A_257 = arith.constant 0 : i32
          %dma_start3A_258 = tpu.memref_slice %arg8[%xor3A_251, %dma_start3A_256, %dma_start3A_257] : memref<2x16x128xi32, #tpu.memory_space<vmem>> -> memref<1x16x128xi32, #tpu.memory_space<vmem>>
          %dma_start3A_259 = tpu.memref_squeeze %dma_start3A_258 : memref<1x16x128xi32, #tpu.memory_space<vmem>> -> memref<16x128xi32, #tpu.memory_space<vmem>>
          %dma_start3A_260 = arith.constant 0 : i32
          %dma_start3A_261 = tpu.memref_slice %arg3[%arg1, %mul3A_255, %dma_start3A_260] : memref<16x160x128xi32, #tpu.memory_space<hbm>> -> memref<1x16x128xi32, #tpu.memory_space<hbm>>
          %dma_start3A_262 = tpu.memref_squeeze %dma_start3A_261 : memref<1x16x128xi32, #tpu.memory_space<hbm>> -> memref<16x128xi32, #tpu.memory_space<hbm>>
          %dma_start3A_263 = arith.constant 0 : i32
          %dma_start3A_264 = arith.constant 0 : i32
          %dma_start3A_265 = tpu.memref_slice %arg8[%xor3A_251, %dma_start3A_263, %dma_start3A_264] : memref<2x16x128xi32, #tpu.memory_space<vmem>> -> memref<1x16x128xi32, #tpu.memory_space<vmem>>
          %dma_start3A_266 = tpu.memref_squeeze %dma_start3A_265 : memref<1x16x128xi32, #tpu.memory_space<vmem>> -> memref<16x128xi32, #tpu.memory_space<vmem>>
          %dma_start3A_267 = arith.constant 0 : i32
          %dma_start3A_268 = tpu.memref_slice %arg3[%arg1, %mul3A_255, %dma_start3A_267] : memref<16x160x128xi32, #tpu.memory_space<hbm>> -> memref<1x16x128xi32, #tpu.memory_space<hbm>>
          %dma_start3A_269 = tpu.memref_squeeze %dma_start3A_268 : memref<1x16x128xi32, #tpu.memory_space<hbm>> -> memref<16x128xi32, #tpu.memory_space<hbm>>
          tpu.enqueue_dma source(%dma_start3A_269 : memref<16x128xi32, #tpu.memory_space<hbm>>) target(%dma_start3A_266 : memref<16x128xi32, #tpu.memory_space<vmem>>) target_semaphore(%arg22 : memref<!tpu.dma_semaphore, #tpu.memory_space<semaphore_mem>>)
          %dma_start3A_270 = arith.constant 0 : i32
          %dma_start3A_271 = arith.constant 0 : i32
          %dma_start3A_272 = tpu.memref_slice %arg9[%xor3A_251, %dma_start3A_270, %dma_start3A_271] : memref<2x16x128xi32, #tpu.memory_space<vmem>> -> memref<1x16x128xi32, #tpu.memory_space<vmem>>
          %dma_start3A_273 = tpu.memref_squeeze %dma_start3A_272 : memref<1x16x128xi32, #tpu.memory_space<vmem>> -> memref<16x128xi32, #tpu.memory_space<vmem>>
          %dma_start3A_274 = arith.constant 0 : i32
          %dma_start3A_275 = tpu.memref_slice %arg4[%arg0, %arg1, %mul3A_255, %dma_start3A_274] : memref<2x16x160x128xi32, #tpu.memory_space<hbm>> -> memref<1x1x16x128xi32, #tpu.memory_space<hbm>>
          %dma_start3A_276 = tpu.memref_squeeze %dma_start3A_275 : memref<1x1x16x128xi32, #tpu.memory_space<hbm>> -> memref<16x128xi32, #tpu.memory_space<hbm>>
          %dma_start3A_277 = arith.constant 0 : i32
          %dma_start3A_278 = arith.constant 0 : i32
          %dma_start3A_279 = tpu.memref_slice %arg9[%xor3A_251, %dma_start3A_277, %dma_start3A_278] : memref<2x16x128xi32, #tpu.memory_space<vmem>> -> memref<1x16x128xi32, #tpu.memory_space<vmem>>
          %dma_start3A_280 = tpu.memref_squeeze %dma_start3A_279 : memref<1x16x128xi32, #tpu.memory_space<vmem>> -> memref<16x128xi32, #tpu.memory_space<vmem>>
          %dma_start3A_281 = arith.constant 0 : i32
          %dma_start3A_282 = tpu.memref_slice %arg4[%arg0, %arg1, %mul3A_255, %dma_start3A_281] : memref<2x16x160x128xi32, #tpu.memory_space<hbm>> -> memref<1x1x16x128xi32, #tpu.memory_space<hbm>>
          %dma_start3A_283 = tpu.memref_squeeze %dma_start3A_282 : memref<1x1x16x128xi32, #tpu.memory_space<hbm>> -> memref<16x128xi32, #tpu.memory_space<hbm>>
          tpu.enqueue_dma source(%dma_start3A_283 : memref<16x128xi32, #tpu.memory_space<hbm>>) target(%dma_start3A_280 : memref<16x128xi32, #tpu.memory_space<vmem>>) target_semaphore(%arg23 : memref<!tpu.dma_semaphore, #tpu.memory_space<semaphore_mem>>)
        } else {
        }
        %eq3A_228 = arith.constant 15 : i32
        %eq3A_229 = arith.cmpi eq, %sub3A_203, %eq3A_228 : i32
        %add3A_230 = arith.constant 1 : i32
        %add3A_231 = arith.addi %select_n3A_200, %add3A_230 : i32
        %lt3A_232 = arith.constant 10 : i32
        %lt3A_233 = arith.cmpi slt, %add3A_231, %lt3A_232 : i32
        %and3A_234 = arith.andi %eq3A_229, %lt3A_233 : i1
        %convert_element_type3A_235 = arith.extui %and3A_234 : i1 to i32
        %cond3A_236 = arith.constant 0 : i32
        %cond3A_237 = arith.cmpi ne, %convert_element_type3A_235, %cond3A_236 : i32
        scf.if %cond3A_237 {
          %xor3A = arith.constant 1 : i32
          %xor3A_251 = arith.xori %and3A_205, %xor3A : i32
          %add3A_252 = arith.constant 1 : i32
          %add3A_253 = arith.addi %select_n3A_200, %add3A_252 : i32
          %mul3A_254 = arith.constant 16 : i32
          %mul3A_255 = arith.muli %add3A_253, %mul3A_254 : i32
          %dma_wait3A_256 = arith.constant 0 : i32
          %dma_wait3A_257 = arith.constant 0 : i32
          %dma_wait3A_258 = tpu.memref_slice %arg8[%xor3A_251, %dma_wait3A_256, %dma_wait3A_257] : memref<2x16x128xi32, #tpu.memory_space<vmem>> -> memref<1x16x128xi32, #tpu.memory_space<vmem>>
          %dma_wait3A_259 = tpu.memref_squeeze %dma_wait3A_258 : memref<1x16x128xi32, #tpu.memory_space<vmem>> -> memref<16x128xi32, #tpu.memory_space<vmem>>
          %dma_wait3A_260 = arith.constant 0 : i32
          %dma_wait3A_261 = tpu.memref_slice %arg3[%arg1, %mul3A_255, %dma_wait3A_260] : memref<16x160x128xi32, #tpu.memory_space<hbm>> -> memref<1x16x128xi32, #tpu.memory_space<hbm>>
          %dma_wait3A_262 = tpu.memref_squeeze %dma_wait3A_261 : memref<1x16x128xi32, #tpu.memory_space<hbm>> -> memref<16x128xi32, #tpu.memory_space<hbm>>
          %dma_wait3A_263 = arith.constant 0 : i32
          %dma_wait3A_264 = arith.constant 0 : i32
          %dma_wait3A_265 = tpu.memref_slice %arg8[%xor3A_251, %dma_wait3A_263, %dma_wait3A_264] : memref<2x16x128xi32, #tpu.memory_space<vmem>> -> memref<1x16x128xi32, #tpu.memory_space<vmem>>
          %dma_wait3A_266 = tpu.memref_squeeze %dma_wait3A_265 : memref<1x16x128xi32, #tpu.memory_space<vmem>> -> memref<16x128xi32, #tpu.memory_space<vmem>>
          %dma_wait3A_267 = arith.constant 0 : i32
          %dma_wait3A_268 = tpu.memref_slice %arg3[%arg1, %mul3A_255, %dma_wait3A_267] : memref<16x160x128xi32, #tpu.memory_space<hbm>> -> memref<1x16x128xi32, #tpu.memory_space<hbm>>
          %dma_wait3A_269 = tpu.memref_squeeze %dma_wait3A_268 : memref<1x16x128xi32, #tpu.memory_space<hbm>> -> memref<16x128xi32, #tpu.memory_space<hbm>>
          tpu.wait_dma2 semaphore(%arg22 : memref<!tpu.dma_semaphore, #tpu.memory_space<semaphore_mem>>) src(%dma_wait3A_269 : memref<16x128xi32, #tpu.memory_space<hbm>>) dst(%dma_wait3A_266 : memref<16x128xi32, #tpu.memory_space<vmem>>)
          %dma_wait3A_270 = arith.constant 0 : i32
          %dma_wait3A_271 = arith.constant 0 : i32
          %dma_wait3A_272 = tpu.memref_slice %arg9[%xor3A_251, %dma_wait3A_270, %dma_wait3A_271] : memref<2x16x128xi32, #tpu.memory_space<vmem>> -> memref<1x16x128xi32, #tpu.memory_space<vmem>>
          %dma_wait3A_273 = tpu.memref_squeeze %dma_wait3A_272 : memref<1x16x128xi32, #tpu.memory_space<vmem>> -> memref<16x128xi32, #tpu.memory_space<vmem>>
          %dma_wait3A_274 = arith.constant 0 : i32
          %dma_wait3A_275 = tpu.memref_slice %arg4[%arg0, %arg1, %mul3A_255, %dma_wait3A_274] : memref<2x16x160x128xi32, #tpu.memory_space<hbm>> -> memref<1x1x16x128xi32, #tpu.memory_space<hbm>>
          %dma_wait3A_276 = tpu.memref_squeeze %dma_wait3A_275 : memref<1x1x16x128xi32, #tpu.memory_space<hbm>> -> memref<16x128xi32, #tpu.memory_space<hbm>>
          %dma_wait3A_277 = arith.constant 0 : i32
          %dma_wait3A_278 = arith.constant 0 : i32
          %dma_wait3A_279 = tpu.memref_slice %arg9[%xor3A_251, %dma_wait3A_277, %dma_wait3A_278] : memref<2x16x128xi32, #tpu.memory_space<vmem>> -> memref<1x16x128xi32, #tpu.memory_space<vmem>>
          %dma_wait3A_280 = tpu.memref_squeeze %dma_wait3A_279 : memref<1x16x128xi32, #tpu.memory_space<vmem>> -> memref<16x128xi32, #tpu.memory_space<vmem>>
          %dma_wait3A_281 = arith.constant 0 : i32
          %dma_wait3A_282 = tpu.memref_slice %arg4[%arg0, %arg1, %mul3A_255, %dma_wait3A_281] : memref<2x16x160x128xi32, #tpu.memory_space<hbm>> -> memref<1x1x16x128xi32, #tpu.memory_space<hbm>>
          %dma_wait3A_283 = tpu.memref_squeeze %dma_wait3A_282 : memref<1x1x16x128xi32, #tpu.memory_space<hbm>> -> memref<16x128xi32, #tpu.memory_space<hbm>>
          tpu.wait_dma2 semaphore(%arg23 : memref<!tpu.dma_semaphore, #tpu.memory_space<semaphore_mem>>) src(%dma_wait3A_283 : memref<16x128xi32, #tpu.memory_space<hbm>>) dst(%dma_wait3A_280 : memref<16x128xi32, #tpu.memory_space<vmem>>)
        } else {
        }
        %gt3A_238 = arith.constant 0 : i32
        %gt3A_239 = arith.cmpi sgt, %add3A_176, %gt3A_238 : i32
        %convert_element_type3A_240 = arith.extui %gt3A_239 : i1 to i32
        %cond3A_241 = arith.constant 0 : i32
        %cond3A_242 = arith.cmpi ne, %convert_element_type3A_240, %cond3A_241 : i32
        scf.if %cond3A_242 {
          %dma_wait3A_251 = arith.constant 0 : i32
          %dma_wait3A_252 = tpu.memref_slice %arg8[%and3A_205, %sub3A_203, %dma_wait3A_251] : memref<2x16x128xi32, #tpu.memory_space<vmem>> -> memref<1x1x128xi32, #tpu.memory_space<vmem>>
          %dma_wait3A_253 = tpu.memref_squeeze %dma_wait3A_252 : memref<1x1x128xi32, #tpu.memory_space<vmem>> -> memref<128xi32, #tpu.memory_space<vmem>>
          %dma_wait3A_254 = arith.constant 0 : i32
          %dma_wait3A_255 = arith.constant 0 : i32
          %dma_wait3A_256 = tpu.memref_slice %arg6[%dma_wait3A_254, %dma_wait3A_255] : memref<20480x64xf32, #tpu.memory_space<vmem_shared>> -> memref<20480x64xf32, #tpu.memory_space<vmem_shared>>
          tpu.wait_indirect_dma semaphore(%arg20 : memref<!tpu.dma_semaphore, #tpu.memory_space<semaphore_mem>>) src(%arg10 : memref<128x64xf32, #tpu.memory_space<vmem>>) dst(%dma_wait3A_256 : memref<20480x64xf32, #tpu.memory_space<vmem_shared>>)
        } else {
        }
        %add3A_243 = arith.constant 1 : i32
        %add3A_244 = arith.addi %add3A_176, %add3A_243 : i32
        %lt3A_245 = arith.constant 160 : i32
        %lt3A_246 = arith.cmpi slt, %add3A_244, %lt3A_245 : i32
        %convert_element_type3A_247 = arith.extui %lt3A_246 : i1 to i32
        %cond3A_248 = arith.constant 0 : i32
        %cond3A_249 = arith.cmpi ne, %convert_element_type3A_247, %cond3A_248 : i32
        scf.if %cond3A_249 {
          %add3A_251 = arith.constant 1 : i32
          %add3A_252 = arith.addi %add3A_176, %add3A_251 : i32
          %jit3A_253 = arith.constant 16 : i32
          %div3A_254 = arith.divsi %add3A_252, %jit3A_253 : i32
          %sign3A_255 = arith.constant 0 : i32
          %sign3A_256 = arith.cmpi sgt, %add3A_252, %sign3A_255 : i32
          %sign3A_257 = arith.extui %sign3A_256 : i1 to i32
          %sign3A_258 = arith.constant 0 : i32
          %sign3A_259 = arith.cmpi slt, %add3A_252, %sign3A_258 : i32
          %sign3A_260 = arith.extui %sign3A_259 : i1 to i32
          %sign3A_261 = arith.subi %sign3A_257, %sign3A_260 : i32
          %sign3A_262 = arith.constant 0 : i32
          %sign3A_263 = arith.cmpi sgt, %jit3A_253, %sign3A_262 : i32
          %sign3A_264 = arith.extui %sign3A_263 : i1 to i32
          %sign3A_265 = arith.constant 0 : i32
          %sign3A_266 = arith.cmpi slt, %jit3A_253, %sign3A_265 : i32
          %sign3A_267 = arith.extui %sign3A_266 : i1 to i32
          %sign3A_268 = arith.subi %sign3A_264, %sign3A_267 : i32
          %ne3A_269 = arith.cmpi ne, %sign3A_261, %sign3A_268 : i32
          %rem3A_270 = arith.remsi %add3A_252, %jit3A_253 : i32
          %ne3A_271 = arith.constant 0 : i32
          %ne3A_272 = arith.cmpi ne, %rem3A_270, %ne3A_271 : i32
          %and3A_273 = arith.andi %ne3A_269, %ne3A_272 : i1
          %sub3A_274 = arith.constant 1 : i32
          %sub3A_275 = arith.subi %div3A_254, %sub3A_274 : i32
          %select_n3A_276 = arith.select %and3A_273, %sub3A_275, %div3A_254 : i32
          %mul3A_277 = arith.constant 16 : i32
          %mul3A_278 = arith.muli %select_n3A_276, %mul3A_277 : i32
          %sub3A_279 = arith.subi %add3A_252, %mul3A_278 : i32
          %and3A_280 = arith.constant 1 : i32
          %and3A_281 = arith.andi %select_n3A_276, %and3A_280 : i32
          %dma_start3A_282 = arith.constant 0 : i32
          %dma_start3A_283 = tpu.memref_slice %arg9[%and3A_281, %sub3A_279, %dma_start3A_282] : memref<2x16x128xi32, #tpu.memory_space<vmem>> -> memref<1x1x128xi32, #tpu.memory_space<vmem>>
          %dma_start3A_284 = tpu.memref_squeeze %dma_start3A_283 : memref<1x1x128xi32, #tpu.memory_space<vmem>> -> memref<128xi32, #tpu.memory_space<vmem>>
          %dma_start3A_285 = arith.constant 0 : i32
          %dma_start3A_286 = arith.constant 0 : i32
          %dma_start3A_287 = tpu.memref_slice %arg5[%dma_start3A_285, %dma_start3A_286] : memref<20480x64xf32, #tpu.memory_space<hbm>> -> memref<20480x64xf32, #tpu.memory_space<hbm>>
          tpu.enqueue_indirect_dma source(%dma_start3A_287 : memref<20480x64xf32, #tpu.memory_space<hbm>>) target(%arg10 : memref<128x64xf32, #tpu.memory_space<vmem>>) offsets(%dma_start3A_284 : memref<128xi32, #tpu.memory_space<vmem>>) semaphore(%arg18 : memref<!tpu.dma_semaphore, #tpu.memory_space<semaphore_mem>>)
        } else {
        }
        %scan3A_250 = arith.constant 0 : i32
        scf.yield %scan3A_250 : i32
      }
      %scan3A_78 = arith.constant 80 : i32
      %and3A = arith.constant 9 : i32
      %and3A_79 = arith.constant 1 : i32
      %and3A_80 = arith.andi %and3A, %and3A_79 : i32
      %dma_wait3A = arith.constant 15 : i32
      %dma_wait3A_81 = arith.constant 0 : i32
      %dma_wait3A_82 = tpu.memref_slice %arg8[%and3A_80, %dma_wait3A, %dma_wait3A_81] : memref<2x16x128xi32, #tpu.memory_space<vmem>> -> memref<1x1x128xi32, #tpu.memory_space<vmem>>
      %dma_wait3A_83 = tpu.memref_squeeze %dma_wait3A_82 : memref<1x1x128xi32, #tpu.memory_space<vmem>> -> memref<128xi32, #tpu.memory_space<vmem>>
      %dma_wait3A_84 = arith.constant 0 : i32
      %dma_wait3A_85 = arith.constant 0 : i32
      %dma_wait3A_86 = tpu.memref_slice %arg6[%dma_wait3A_84, %dma_wait3A_85] : memref<20480x64xf32, #tpu.memory_space<vmem_shared>> -> memref<20480x64xf32, #tpu.memory_space<vmem_shared>>
      tpu.wait_indirect_dma semaphore(%arg21 : memref<!tpu.dma_semaphore, #tpu.memory_space<semaphore_mem>>) src(%arg11 : memref<128x64xf32, #tpu.memory_space<vmem>>) dst(%dma_wait3A_86 : memref<20480x64xf32, #tpu.memory_space<vmem_shared>>)
      %barrier3A_87 = arith.constant 0 : index
      tpu.barrier barrier_id(%barrier3A_87)
      %scan3A_88 = arith.constant 0 : i32
      %scan3A_89 = arith.constant 0 : i32
      %scan3A_90 = arith.constant 8 : i32
      %scan3A_91 = arith.addi %scan3A_89, %scan3A_90 : i32
      %scan3A_92 = arith.constant 1 : i32
      %scan3A_93 = scf.for %scan3A_106 = %scan3A_89 to %scan3A_91 step %scan3A_92 iter_args(%scan3A_107 = %scan3A_88) -> (i32)  : i32 {
        %mul3A_108 = arith.constant 80 : i32
        %mul3A_109 = arith.muli %scan3A_106, %mul3A_108 : i32
        %add3A_110 = arith.addi %mul3A_0, %mul3A_109 : i32
        %gt3A = arith.constant 0 : i32
        %gt3A_111 = arith.cmpi sgt, %scan3A_106, %gt3A : i32
        %convert_element_type3A = arith.extui %gt3A_111 : i1 to i32
        %cond3A = arith.constant 0 : i32
        %cond3A_112 = arith.cmpi ne, %convert_element_type3A, %cond3A : i32
        scf.if %cond3A_112 {
          %sub3A = arith.constant 1 : i32
          %sub3A_160 = arith.subi %scan3A_106, %sub3A : i32
          %mul3A_161 = arith.constant 80 : i32
          %mul3A_162 = arith.muli %sub3A_160, %mul3A_161 : i32
          %add3A_163 = arith.addi %mul3A_0, %mul3A_162 : i32
          %add3A_164 = arith.addi %mul3A_2, %add3A_163 : i32
          %dma_wait3A_165 = arith.constant 0 : i32
          %dma_wait3A_166 = tpu.memref_slice %arg5[%add3A_164, %dma_wait3A_165] : memref<20480x64xf32, #tpu.memory_space<hbm>> -> memref<80x64xf32, #tpu.memory_space<hbm>>
          %dma_wait3A_167 = arith.constant 0 : i32
          %dma_wait3A_168 = tpu.memref_slice %arg5[%add3A_164, %dma_wait3A_167] : memref<20480x64xf32, #tpu.memory_space<hbm>> -> memref<80x64xf32, #tpu.memory_space<hbm>>
          tpu.wait_dma2 semaphore(%arg27 : memref<!tpu.dma_semaphore, #tpu.memory_space<semaphore_mem>>) src(%arg13 : memref<80x64xf32, #tpu.memory_space<vmem>>) dst(%dma_wait3A_168 : memref<80x64xf32, #tpu.memory_space<hbm>>)
          %dma_wait3A_169 = arith.constant 0 : i32
          %dma_wait3A_170 = tpu.memref_slice %arg6[%add3A_163, %dma_wait3A_169] : memref<20480x64xf32, #tpu.memory_space<vmem_shared>> -> memref<80x64xf32, #tpu.memory_space<vmem_shared>>
          %dma_wait3A_171 = arith.constant 0 : i32
          %dma_wait3A_172 = tpu.memref_slice %arg6[%add3A_163, %dma_wait3A_171] : memref<20480x64xf32, #tpu.memory_space<vmem_shared>> -> memref<80x64xf32, #tpu.memory_space<vmem_shared>>
          tpu.wait_dma2 semaphore(%arg28 : memref<!tpu.dma_semaphore, #tpu.memory_space<semaphore_mem>>) src(%arg12 : memref<80x64xf32, #tpu.memory_space<vmem>>) dst(%dma_wait3A_172 : memref<80x64xf32, #tpu.memory_space<vmem_shared>>)
        } else {
        }
        %dma_start3A_113 = arith.constant 0 : i32
        %dma_start3A_114 = tpu.memref_slice %arg6[%add3A_110, %dma_start3A_113] : memref<20480x64xf32, #tpu.memory_space<vmem_shared>> -> memref<80x64xf32, #tpu.memory_space<vmem_shared>>
        %dma_start3A_115 = arith.constant 0 : i32
        %dma_start3A_116 = tpu.memref_slice %arg6[%add3A_110, %dma_start3A_115] : memref<20480x64xf32, #tpu.memory_space<vmem_shared>> -> memref<80x64xf32, #tpu.memory_space<vmem_shared>>
        tpu.enqueue_dma source(%dma_start3A_116 : memref<80x64xf32, #tpu.memory_space<vmem_shared>>) target(%arg12 : memref<80x64xf32, #tpu.memory_space<vmem>>) target_semaphore(%arg24 : memref<!tpu.dma_semaphore, #tpu.memory_space<semaphore_mem>>)
        %add3A_117 = arith.addi %mul3A_2, %add3A_110 : i32
        %dma_start3A_118 = arith.constant 0 : i32
        %dma_start3A_119 = tpu.memref_slice %arg5[%add3A_117, %dma_start3A_118] : memref<20480x64xf32, #tpu.memory_space<hbm>> -> memref<80x64xf32, #tpu.memory_space<hbm>>
        %dma_start3A_120 = arith.constant 0 : i32
        %dma_start3A_121 = tpu.memref_slice %arg5[%add3A_117, %dma_start3A_120] : memref<20480x64xf32, #tpu.memory_space<hbm>> -> memref<80x64xf32, #tpu.memory_space<hbm>>
        tpu.enqueue_dma source(%dma_start3A_121 : memref<80x64xf32, #tpu.memory_space<hbm>>) target(%arg13 : memref<80x64xf32, #tpu.memory_space<vmem>>) target_semaphore(%arg25 : memref<!tpu.dma_semaphore, #tpu.memory_space<semaphore_mem>>)
        %dma_start3A_122 = arith.constant 0 : i32
        %dma_start3A_123 = tpu.memref_slice %arg2[%arg0, %add3A_110, %dma_start3A_122] : memref<2x10240x64xf32, #tpu.memory_space<hbm>> -> memref<1x80x64xf32, #tpu.memory_space<hbm>>
        %dma_start3A_124 = tpu.memref_squeeze %dma_start3A_123 : memref<1x80x64xf32, #tpu.memory_space<hbm>> -> memref<80x64xf32, #tpu.memory_space<hbm>>
        %dma_start3A_125 = arith.constant 0 : i32
        %dma_start3A_126 = tpu.memref_slice %arg2[%arg0, %add3A_110, %dma_start3A_125] : memref<2x10240x64xf32, #tpu.memory_space<hbm>> -> memref<1x80x64xf32, #tpu.memory_space<hbm>>
        %dma_start3A_127 = tpu.memref_squeeze %dma_start3A_126 : memref<1x80x64xf32, #tpu.memory_space<hbm>> -> memref<80x64xf32, #tpu.memory_space<hbm>>
        tpu.enqueue_dma source(%dma_start3A_127 : memref<80x64xf32, #tpu.memory_space<hbm>>) target(%arg14 : memref<80x64xf32, #tpu.memory_space<vmem>>) target_semaphore(%arg26 : memref<!tpu.dma_semaphore, #tpu.memory_space<semaphore_mem>>)
        %dma_wait3A_128 = arith.constant 0 : i32
        %dma_wait3A_129 = tpu.memref_slice %arg6[%add3A_110, %dma_wait3A_128] : memref<20480x64xf32, #tpu.memory_space<vmem_shared>> -> memref<80x64xf32, #tpu.memory_space<vmem_shared>>
        %dma_wait3A_130 = arith.constant 0 : i32
        %dma_wait3A_131 = tpu.memref_slice %arg6[%add3A_110, %dma_wait3A_130] : memref<20480x64xf32, #tpu.memory_space<vmem_shared>> -> memref<80x64xf32, #tpu.memory_space<vmem_shared>>
        tpu.wait_dma2 semaphore(%arg24 : memref<!tpu.dma_semaphore, #tpu.memory_space<semaphore_mem>>) src(%dma_wait3A_131 : memref<80x64xf32, #tpu.memory_space<vmem_shared>>) dst(%arg12 : memref<80x64xf32, #tpu.memory_space<vmem>>)
        %add3A_132 = arith.addi %mul3A_2, %add3A_110 : i32
        %dma_wait3A_133 = arith.constant 0 : i32
        %dma_wait3A_134 = tpu.memref_slice %arg5[%add3A_132, %dma_wait3A_133] : memref<20480x64xf32, #tpu.memory_space<hbm>> -> memref<80x64xf32, #tpu.memory_space<hbm>>
        %dma_wait3A_135 = arith.constant 0 : i32
        %dma_wait3A_136 = tpu.memref_slice %arg5[%add3A_132, %dma_wait3A_135] : memref<20480x64xf32, #tpu.memory_space<hbm>> -> memref<80x64xf32, #tpu.memory_space<hbm>>
        tpu.wait_dma2 semaphore(%arg25 : memref<!tpu.dma_semaphore, #tpu.memory_space<semaphore_mem>>) src(%dma_wait3A_136 : memref<80x64xf32, #tpu.memory_space<hbm>>) dst(%arg13 : memref<80x64xf32, #tpu.memory_space<vmem>>)
        %dma_wait3A_137 = arith.constant 0 : i32
        %dma_wait3A_138 = tpu.memref_slice %arg2[%arg0, %add3A_110, %dma_wait3A_137] : memref<2x10240x64xf32, #tpu.memory_space<hbm>> -> memref<1x80x64xf32, #tpu.memory_space<hbm>>
        %dma_wait3A_139 = tpu.memref_squeeze %dma_wait3A_138 : memref<1x80x64xf32, #tpu.memory_space<hbm>> -> memref<80x64xf32, #tpu.memory_space<hbm>>
        %dma_wait3A_140 = arith.constant 0 : i32
        %dma_wait3A_141 = tpu.memref_slice %arg2[%arg0, %add3A_110, %dma_wait3A_140] : memref<2x10240x64xf32, #tpu.memory_space<hbm>> -> memref<1x80x64xf32, #tpu.memory_space<hbm>>
        %dma_wait3A_142 = tpu.memref_squeeze %dma_wait3A_141 : memref<1x80x64xf32, #tpu.memory_space<hbm>> -> memref<80x64xf32, #tpu.memory_space<hbm>>
        tpu.wait_dma2 semaphore(%arg26 : memref<!tpu.dma_semaphore, #tpu.memory_space<semaphore_mem>>) src(%dma_wait3A_142 : memref<80x64xf32, #tpu.memory_space<hbm>>) dst(%arg14 : memref<80x64xf32, #tpu.memory_space<vmem>>)
        %scan3A_143 = arith.constant 0 : i32
        %scan3A_144 = arith.constant 0 : i32
        %scan3A_145 = arith.constant 80 : i32
        %scan3A_146 = arith.addi %scan3A_144, %scan3A_145 : i32
        %scan3A_147 = arith.constant 1 : i32
        %scan3A_148 = scf.for %scan3A_160 = %scan3A_144 to %scan3A_146 step %scan3A_147 iter_args(%scan3A_161 = %scan3A_143) -> (i32)  : i32 {
          %mul3A_162 = arith.constant 80 : i32
          %mul3A_163 = arith.muli %scan3A_106, %mul3A_162 : i32
          %add3A_164 = arith.addi %mul3A_163, %scan3A_160 : i32
          %broadcast_in_dim3A_165 = vector.broadcast %add3A_164 : i32 to vector<16xi32>
          %gather3A = tpu.vector_load_idx %arg16[%broadcast_in_dim3A_165] : memref<640xf32, #tpu.memory_space<vmem>>[vector<16xi32>], vector<16xf32>,
          %get3A = arith.index_cast %scan3A_160 : i32 to index
          %get3A_166 = arith.constant 0 : index
          %get3A_167 = tpu.vector_load %arg12[%get3A, %get3A_166] {strides = array<i32>} : memref<80x64xf32, #tpu.memory_space<vmem>>, vector<16xf32>,
          %get3A_168 = arith.index_cast %scan3A_160 : i32 to index
          %get3A_169 = arith.constant 0 : index
          %get3A_170 = tpu.vector_load %arg13[%get3A_168, %get3A_169] {strides = array<i32>} : memref<80x64xf32, #tpu.memory_space<vmem>>, vector<16xf32>,
          %get3A_171 = arith.index_cast %scan3A_160 : i32 to index
          %get3A_172 = arith.constant 0 : index
          %get3A_173 = tpu.vector_load %arg14[%get3A_171, %get3A_172] {strides = array<i32>} : memref<80x64xf32, #tpu.memory_space<vmem>>, vector<16xf32>,
          %mul3A_174 = arith.constant 5.000000e-01 : f32
          %mul3A_175 = vector.broadcast %mul3A_174 : f32 to vector<16xf32>
          %mul3A_176 = arith.mulf %mul3A_175, %get3A_170 : vector<16xf32>
          %mul3A_177 = arith.constant 1.000000e+00 : f32
          %mul3A_178 = vector.broadcast %mul3A_177 : f32 to vector<16xf32>
          %mul3A_179 = arith.mulf %mul3A_178, %get3A_167 : vector<16xf32>
          %add3A_180 = arith.addf %mul3A_179, %get3A_173 : vector<16xf32>
          %mul3A_181 = arith.mulf %gather3A, %add3A_180 : vector<16xf32>
          %add3A_182 = arith.addf %mul3A_176, %mul3A_181 : vector<16xf32>
          %swap3A_183 = arith.index_cast %scan3A_160 : i32 to index
          %swap3A_184 = arith.constant 0 : index
          %swap3A_185 = tpu.vector_load %arg13[%swap3A_183, %swap3A_184] {strides = array<i32>} : memref<80x64xf32, #tpu.memory_space<vmem>>, vector<16xf32>,
          tpu.vector_store %arg13[%swap3A_183, %swap3A_184], %add3A_182 {strides = array<i32>} : memref<80x64xf32, #tpu.memory_space<vmem>>, vector<16xf32>,
          %swap3A_186 = arith.index_cast %scan3A_160 : i32 to index
          %swap3A_187 = arith.constant 0 : index
          %swap3A_188 = tpu.vector_load %arg12[%swap3A_186, %swap3A_187] {strides = array<i32>} : memref<80x64xf32, #tpu.memory_space<vmem>>, vector<16xf32>,
          tpu.vector_store %arg12[%swap3A_186, %swap3A_187], %broadcast_in_dim3A_5 {strides = array<i32>} : memref<80x64xf32, #tpu.memory_space<vmem>>, vector<16xf32>,
          %get3A_189 = arith.index_cast %scan3A_160 : i32 to index
          %get3A_190 = arith.constant 16 : index
          %get3A_191 = tpu.vector_load %arg12[%get3A_189, %get3A_190] {strides = array<i32>} : memref<80x64xf32, #tpu.memory_space<vmem>>, vector<16xf32>,
          %get3A_192 = arith.index_cast %scan3A_160 : i32 to index
          %get3A_193 = arith.constant 16 : index
          %get3A_194 = tpu.vector_load %arg13[%get3A_192, %get3A_193] {strides = array<i32>} : memref<80x64xf32, #tpu.memory_space<vmem>>, vector<16xf32>,
          %get3A_195 = arith.index_cast %scan3A_160 : i32 to index
          %get3A_196 = arith.constant 16 : index
          %get3A_197 = tpu.vector_load %arg14[%get3A_195, %get3A_196] {strides = array<i32>} : memref<80x64xf32, #tpu.memory_space<vmem>>, vector<16xf32>,
          %mul3A_198 = arith.constant 5.000000e-01 : f32
          %mul3A_199 = vector.broadcast %mul3A_198 : f32 to vector<16xf32>
          %mul3A_200 = arith.mulf %mul3A_199, %get3A_194 : vector<16xf32>
          %mul3A_201 = arith.constant 1.000000e+00 : f32
          %mul3A_202 = vector.broadcast %mul3A_201 : f32 to vector<16xf32>
          %mul3A_203 = arith.mulf %mul3A_202, %get3A_191 : vector<16xf32>
          %add3A_204 = arith.addf %mul3A_203, %get3A_197 : vector<16xf32>
          %mul3A_205 = arith.mulf %gather3A, %add3A_204 : vector<16xf32>
          %add3A_206 = arith.addf %mul3A_200, %mul3A_205 : vector<16xf32>
          %swap3A_207 = arith.index_cast %scan3A_160 : i32 to index
          %swap3A_208 = arith.constant 16 : index
          %swap3A_209 = tpu.vector_load %arg13[%swap3A_207, %swap3A_208] {strides = array<i32>} : memref<80x64xf32, #tpu.memory_space<vmem>>, vector<16xf32>,
          tpu.vector_store %arg13[%swap3A_207, %swap3A_208], %add3A_206 {strides = array<i32>} : memref<80x64xf32, #tpu.memory_space<vmem>>, vector<16xf32>,
          %swap3A_210 = arith.index_cast %scan3A_160 : i32 to index
          %swap3A_211 = arith.constant 16 : index
          %swap3A_212 = tpu.vector_load %arg12[%swap3A_210, %swap3A_211] {strides = array<i32>} : memref<80x64xf32, #tpu.memory_space<vmem>>, vector<16xf32>,
          tpu.vector_store %arg12[%swap3A_210, %swap3A_211], %broadcast_in_dim3A_5 {strides = array<i32>} : memref<80x64xf32, #tpu.memory_space<vmem>>, vector<16xf32>,
          %get3A_213 = arith.index_cast %scan3A_160 : i32 to index
          %get3A_214 = arith.constant 32 : index
          %get3A_215 = tpu.vector_load %arg12[%get3A_213, %get3A_214] {strides = array<i32>} : memref<80x64xf32, #tpu.memory_space<vmem>>, vector<16xf32>,
          %get3A_216 = arith.index_cast %scan3A_160 : i32 to index
          %get3A_217 = arith.constant 32 : index
          %get3A_218 = tpu.vector_load %arg13[%get3A_216, %get3A_217] {strides = array<i32>} : memref<80x64xf32, #tpu.memory_space<vmem>>, vector<16xf32>,
          %get3A_219 = arith.index_cast %scan3A_160 : i32 to index
          %get3A_220 = arith.constant 32 : index
          %get3A_221 = tpu.vector_load %arg14[%get3A_219, %get3A_220] {strides = array<i32>} : memref<80x64xf32, #tpu.memory_space<vmem>>, vector<16xf32>,
          %mul3A_222 = arith.constant 5.000000e-01 : f32
          %mul3A_223 = vector.broadcast %mul3A_222 : f32 to vector<16xf32>
          %mul3A_224 = arith.mulf %mul3A_223, %get3A_218 : vector<16xf32>
          %mul3A_225 = arith.constant 1.000000e+00 : f32
          %mul3A_226 = vector.broadcast %mul3A_225 : f32 to vector<16xf32>
          %mul3A_227 = arith.mulf %mul3A_226, %get3A_215 : vector<16xf32>
          %add3A_228 = arith.addf %mul3A_227, %get3A_221 : vector<16xf32>
          %mul3A_229 = arith.mulf %gather3A, %add3A_228 : vector<16xf32>
          %add3A_230 = arith.addf %mul3A_224, %mul3A_229 : vector<16xf32>
          %swap3A_231 = arith.index_cast %scan3A_160 : i32 to index
          %swap3A_232 = arith.constant 32 : index
          %swap3A_233 = tpu.vector_load %arg13[%swap3A_231, %swap3A_232] {strides = array<i32>} : memref<80x64xf32, #tpu.memory_space<vmem>>, vector<16xf32>,
          tpu.vector_store %arg13[%swap3A_231, %swap3A_232], %add3A_230 {strides = array<i32>} : memref<80x64xf32, #tpu.memory_space<vmem>>, vector<16xf32>,
          %swap3A_234 = arith.index_cast %scan3A_160 : i32 to index
          %swap3A_235 = arith.constant 32 : index
          %swap3A_236 = tpu.vector_load %arg12[%swap3A_234, %swap3A_235] {strides = array<i32>} : memref<80x64xf32, #tpu.memory_space<vmem>>, vector<16xf32>,
          tpu.vector_store %arg12[%swap3A_234, %swap3A_235], %broadcast_in_dim3A_5 {strides = array<i32>} : memref<80x64xf32, #tpu.memory_space<vmem>>, vector<16xf32>,
          %get3A_237 = arith.index_cast %scan3A_160 : i32 to index
          %get3A_238 = arith.constant 48 : index
          %get3A_239 = tpu.vector_load %arg12[%get3A_237, %get3A_238] {strides = array<i32>} : memref<80x64xf32, #tpu.memory_space<vmem>>, vector<16xf32>,
          %get3A_240 = arith.index_cast %scan3A_160 : i32 to index
          %get3A_241 = arith.constant 48 : index
          %get3A_242 = tpu.vector_load %arg13[%get3A_240, %get3A_241] {strides = array<i32>} : memref<80x64xf32, #tpu.memory_space<vmem>>, vector<16xf32>,
          %get3A_243 = arith.index_cast %scan3A_160 : i32 to index
          %get3A_244 = arith.constant 48 : index
          %get3A_245 = tpu.vector_load %arg14[%get3A_243, %get3A_244] {strides = array<i32>} : memref<80x64xf32, #tpu.memory_space<vmem>>, vector<16xf32>,
          %mul3A_246 = arith.constant 5.000000e-01 : f32
          %mul3A_247 = vector.broadcast %mul3A_246 : f32 to vector<16xf32>
          %mul3A_248 = arith.mulf %mul3A_247, %get3A_242 : vector<16xf32>
          %mul3A_249 = arith.constant 1.000000e+00 : f32
          %mul3A_250 = vector.broadcast %mul3A_249 : f32 to vector<16xf32>
          %mul3A_251 = arith.mulf %mul3A_250, %get3A_239 : vector<16xf32>
          %add3A_252 = arith.addf %mul3A_251, %get3A_245 : vector<16xf32>
          %mul3A_253 = arith.mulf %gather3A, %add3A_252 : vector<16xf32>
          %add3A_254 = arith.addf %mul3A_248, %mul3A_253 : vector<16xf32>
          %swap3A_255 = arith.index_cast %scan3A_160 : i32 to index
          %swap3A_256 = arith.constant 48 : index
          %swap3A_257 = tpu.vector_load %arg13[%swap3A_255, %swap3A_256] {strides = array<i32>} : memref<80x64xf32, #tpu.memory_space<vmem>>, vector<16xf32>,
          tpu.vector_store %arg13[%swap3A_255, %swap3A_256], %add3A_254 {strides = array<i32>} : memref<80x64xf32, #tpu.memory_space<vmem>>, vector<16xf32>,
          %swap3A_258 = arith.index_cast %scan3A_160 : i32 to index
          %swap3A_259 = arith.constant 48 : index
          %swap3A_260 = tpu.vector_load %arg12[%swap3A_258, %swap3A_259] {strides = array<i32>} : memref<80x64xf32, #tpu.memory_space<vmem>>, vector<16xf32>,
          tpu.vector_store %arg12[%swap3A_258, %swap3A_259], %broadcast_in_dim3A_5 {strides = array<i32>} : memref<80x64xf32, #tpu.memory_space<vmem>>, vector<16xf32>,
          %scan3A_261 = arith.constant 0 : i32
          scf.yield %scan3A_261 : i32
        }
        %scan3A_149 = arith.constant 80 : i32
        %add3A_150 = arith.addi %mul3A_2, %add3A_110 : i32
        %dma_start3A_151 = arith.constant 0 : i32
        %dma_start3A_152 = tpu.memref_slice %arg5[%add3A_150, %dma_start3A_151] : memref<20480x64xf32, #tpu.memory_space<hbm>> -> memref<80x64xf32, #tpu.memory_space<hbm>>
        %dma_start3A_153 = arith.constant 0 : i32
        %dma_start3A_154 = tpu.memref_slice %arg5[%add3A_150, %dma_start3A_153] : memref<20480x64xf32, #tpu.memory_space<hbm>> -> memref<80x64xf32, #tpu.memory_space<hbm>>
        tpu.enqueue_dma source(%arg13 : memref<80x64xf32, #tpu.memory_space<vmem>>) target(%dma_start3A_154 : memref<80x64xf32, #tpu.memory_space<hbm>>) target_semaphore(%arg27 : memref<!tpu.dma_semaphore, #tpu.memory_space<semaphore_mem>>)
        %dma_start3A_155 = arith.constant 0 : i32
        %dma_start3A_156 = tpu.memref_slice %arg6[%add3A_110, %dma_start3A_155] : memref<20480x64xf32, #tpu.memory_space<vmem_shared>> -> memref<80x64xf32, #tpu.memory_space<vmem_shared>>
        %dma_start3A_157 = arith.constant 0 : i32
        %dma_start3A_158 = tpu.memref_slice %arg6[%add3A_110, %dma_start3A_157] : memref<20480x64xf32, #tpu.memory_space<vmem_shared>> -> memref<80x64xf32, #tpu.memory_space<vmem_shared>>
        tpu.enqueue_dma source(%arg12 : memref<80x64xf32, #tpu.memory_space<vmem>>) target(%dma_start3A_158 : memref<80x64xf32, #tpu.memory_space<vmem_shared>>) target_semaphore(%arg28 : memref<!tpu.dma_semaphore, #tpu.memory_space<semaphore_mem>>)
        %scan3A_159 = arith.constant 0 : i32
        scf.yield %scan3A_159 : i32
      }
      %scan3A_94 = arith.constant 8 : i32
      %add3A = arith.constant 560 : i32
      %add3A_95 = arith.addi %mul3A_0, %add3A : i32
      %add3A_96 = arith.addi %mul3A_2, %add3A_95 : i32
      %dma_wait3A_97 = arith.constant 0 : i32
      %dma_wait3A_98 = tpu.memref_slice %arg5[%add3A_96, %dma_wait3A_97] : memref<20480x64xf32, #tpu.memory_space<hbm>> -> memref<80x64xf32, #tpu.memory_space<hbm>>
      %dma_wait3A_99 = arith.constant 0 : i32
      %dma_wait3A_100 = tpu.memref_slice %arg5[%add3A_96, %dma_wait3A_99] : memref<20480x64xf32, #tpu.memory_space<hbm>> -> memref<80x64xf32, #tpu.memory_space<hbm>>
      tpu.wait_dma2 semaphore(%arg27 : memref<!tpu.dma_semaphore, #tpu.memory_space<semaphore_mem>>) src(%arg13 : memref<80x64xf32, #tpu.memory_space<vmem>>) dst(%dma_wait3A_100 : memref<80x64xf32, #tpu.memory_space<hbm>>)
      %dma_wait3A_101 = arith.constant 0 : i32
      %dma_wait3A_102 = tpu.memref_slice %arg6[%add3A_95, %dma_wait3A_101] : memref<20480x64xf32, #tpu.memory_space<vmem_shared>> -> memref<80x64xf32, #tpu.memory_space<vmem_shared>>
      %dma_wait3A_103 = arith.constant 0 : i32
      %dma_wait3A_104 = tpu.memref_slice %arg6[%add3A_95, %dma_wait3A_103] : memref<20480x64xf32, #tpu.memory_space<vmem_shared>> -> memref<80x64xf32, #tpu.memory_space<vmem_shared>>
      tpu.wait_dma2 semaphore(%arg28 : memref<!tpu.dma_semaphore, #tpu.memory_space<semaphore_mem>>) src(%arg12 : memref<80x64xf32, #tpu.memory_space<vmem>>) dst(%dma_wait3A_104 : memref<80x64xf32, #tpu.memory_space<vmem_shared>>)
      %barrier3A_105 = arith.constant 0 : index
      tpu.barrier barrier_id(%barrier3A_105)
    }
    %scan3A_62 = arith.constant 16 : i32
    return
  }
}

module attributes {stable_mosaic.version = 14 : i64} {
  func.func @body(%arg0: i32, %arg1: memref<640x128xf32, #tpu.memory_space<vmem>>, %arg2: memref<128x128xf32, #tpu.memory_space<vmem>>, %arg3: memref<1x128xf32, #tpu.memory_space<vmem>>, %arg4: memref<128x128xf32, #tpu.memory_space<vmem>>, %arg5: memref<1x128xf32, #tpu.memory_space<vmem>>, %arg6: memref<2x640x64xf32, #tpu.memory_space<vmem>>) attributes {dimension_semantics = [#tpu.dimension_semantics<arbitrary>], iteration_bounds = array<i64: 16>, scalar_prefetch = 0 : i64, scratch_operands = 0 : i64, tpu.core_type = #tpu.core_type<tc>, window_params = [{transform_indices = @transform_0, window_bounds = array<i64: 640, 128>}, {pipeline_mode = #tpu.pipeline_mode<synchronous>, transform_indices = @transform_1, window_bounds = array<i64: 128, 128>}, {pipeline_mode = #tpu.pipeline_mode<synchronous>, transform_indices = @transform_2, window_bounds = array<i64: 1, 128>}, {pipeline_mode = #tpu.pipeline_mode<synchronous>, transform_indices = @transform_3, window_bounds = array<i64: 128, 128>}, {pipeline_mode = #tpu.pipeline_mode<synchronous>, transform_indices = @transform_4, window_bounds = array<i64: 1, 128>}, {transform_indices = @transform_5, window_bounds = array<i64: 2, 640, 64>}]} {
    %get3A = arith.constant 0 : index
    %get3A_0 = arith.constant 0 : index
    %get3A_1 = vector.load %arg1[%get3A, %get3A_0] : memref<640x128xf32, #tpu.memory_space<vmem>>, vector<640x128xf32>
    %get3A_2 = arith.constant 0 : index
    %get3A_3 = arith.constant 0 : index
    %get3A_4 = vector.load %arg2[%get3A_2, %get3A_3] : memref<128x128xf32, #tpu.memory_space<vmem>>, vector<128x128xf32>
    %dot_general3A = arith.constant dense<0.000000e+00> : vector<640x128xf32>
    %dot_general3A_5 = tpu.matmul %get3A_1, %get3A_4, %dot_general3A {dimension_numbers = #tpu.dot_dimension_numbers<[1], [0], [0], [1], [0, 0, 1, 1], [], []>, transpose_lhs_hint = false} : vector<640x128xf32>, vector<128x128xf32>, vector<640x128xf32> -> vector<640x128xf32>
    %get3A_6 = arith.constant 0 : index
    %get3A_7 = arith.constant 0 : index
    %get3A_8 = vector.load %arg3[%get3A_6, %get3A_7] : memref<1x128xf32, #tpu.memory_space<vmem>>, vector<1x128xf32>
    %add3A = vector.broadcast %get3A_8 : vector<1x128xf32> to vector<640x128xf32>
    %add3A_9 = arith.addf %dot_general3A_5, %add3A : vector<640x128xf32>
    %max3A = arith.constant 0.000000e+00 : f32
    %max3A_10 = vector.broadcast %max3A : f32 to vector<640x128xf32>
    %max3A_11 = arith.maximumf %add3A_9, %max3A_10 : vector<640x128xf32>
    %get3A_12 = arith.constant 0 : index
    %get3A_13 = arith.constant 0 : index
    %get3A_14 = vector.load %arg4[%get3A_12, %get3A_13] : memref<128x128xf32, #tpu.memory_space<vmem>>, vector<128x128xf32>
    %dot_general3A_15 = arith.constant dense<0.000000e+00> : vector<640x128xf32>
    %dot_general3A_16 = tpu.matmul %max3A_11, %get3A_14, %dot_general3A_15 {dimension_numbers = #tpu.dot_dimension_numbers<[1], [0], [0], [1], [0, 0, 1, 1], [], []>, transpose_lhs_hint = false} : vector<640x128xf32>, vector<128x128xf32>, vector<640x128xf32> -> vector<640x128xf32>
    %get3A_17 = arith.constant 0 : index
    %get3A_18 = arith.constant 0 : index
    %get3A_19 = vector.load %arg5[%get3A_17, %get3A_18] : memref<1x128xf32, #tpu.memory_space<vmem>>, vector<1x128xf32>
    %add3A_20 = vector.broadcast %get3A_19 : vector<1x128xf32> to vector<640x128xf32>
    %add3A_21 = arith.addf %dot_general3A_16, %add3A_20 : vector<640x128xf32>
    %mul3A = arith.constant 640 : i32
    %mul3A_22 = arith.muli %arg0, %mul3A : i32
    %iota3A = tpu.iota {dimensions = array<i32: 0>} : vector<640x1xi32>
    %add3A_23 = vector.broadcast %mul3A_22 : i32 to vector<640x1xi32>
    %add3A_24 = arith.addi %add3A_23, %iota3A : vector<640x1xi32>
    %lt3A = arith.constant 10000 : i32
    %lt3A_25 = vector.broadcast %lt3A : i32 to vector<640x1xi32>
    %lt3A_26 = arith.cmpi slt, %add3A_24, %lt3A_25 : vector<640x1xi32>
    %jit3A = arith.constant 0.000000e+00 : f32
    %broadcast_in_dim3A = vector.shape_cast %lt3A_26 : vector<640x1xi1> to vector<640x1xi1>
    %broadcast_in_dim3A_27 = vector.broadcast %broadcast_in_dim3A : vector<640x1xi1> to vector<640x128xi1>
    %broadcast_in_dim3A_28 = vector.broadcast %jit3A : f32 to vector<640x128xf32>
    %select_n3A = arith.select %broadcast_in_dim3A_27, %add3A_21, %broadcast_in_dim3A_28 : vector<640x128xi1>, vector<640x128xf32>
    %slice3A = vector.extract_strided_slice %select_n3A {offsets = [0, 0], sizes = [640, 64], strides = [1, 1]} : vector<640x128xf32> to vector<640x64xf32>
    %swap3A = arith.constant 0 : index
    %swap3A_29 = arith.constant 0 : index
    %swap3A_30 = arith.constant 0 : index
    %swap3A_31 = vector.load %arg6[%swap3A, %swap3A_29, %swap3A_30] : memref<2x640x64xf32, #tpu.memory_space<vmem>>, vector<1x640x64xf32>
    %swap3A_32 = vector.shape_cast %swap3A_31 : vector<1x640x64xf32> to vector<640x64xf32>
    %swap3A_33 = vector.shape_cast %slice3A : vector<640x64xf32> to vector<1x640x64xf32>
    tpu.vector_store %arg6[%swap3A, %swap3A_29, %swap3A_30], %swap3A_33 {strides = array<i32>} : memref<2x640x64xf32, #tpu.memory_space<vmem>>, vector<1x640x64xf32>,
    %slice3A_34 = vector.extract_strided_slice %select_n3A {offsets = [0, 64], sizes = [640, 64], strides = [1, 1]} : vector<640x128xf32> to vector<640x64xf32>
    %swap3A_35 = arith.constant 1 : index
    %swap3A_36 = arith.constant 0 : index
    %swap3A_37 = arith.constant 0 : index
    %swap3A_38 = vector.load %arg6[%swap3A_35, %swap3A_36, %swap3A_37] : memref<2x640x64xf32, #tpu.memory_space<vmem>>, vector<1x640x64xf32>
    %swap3A_39 = vector.shape_cast %swap3A_38 : vector<1x640x64xf32> to vector<640x64xf32>
    %swap3A_40 = vector.shape_cast %slice3A_34 : vector<640x64xf32> to vector<1x640x64xf32>
    tpu.vector_store %arg6[%swap3A_35, %swap3A_36, %swap3A_37], %swap3A_40 {strides = array<i32>} : memref<2x640x64xf32, #tpu.memory_space<vmem>>, vector<1x640x64xf32>,
    return
  }
  func.func @transform_0(%arg0: i32) -> (i32, i32) {
    %c0_i32 = arith.constant 0 : i32
    %c0_i32_0 = arith.constant 0 : i32
    return %arg0, %c0_i32 : i32, i32
  }
  func.func @transform_1(%arg0: i32) -> (i32, i32) {
    %c0_i32 = arith.constant 0 : i32
    %c0_i32_0 = arith.constant 0 : i32
    %c0_i32_1 = arith.constant 0 : i32
    return %c0_i32, %c0_i32_0 : i32, i32
  }
  func.func @transform_2(%arg0: i32) -> (i32, i32) {
    %c0_i32 = arith.constant 0 : i32
    %c0_i32_0 = arith.constant 0 : i32
    %c0_i32_1 = arith.constant 0 : i32
    return %c0_i32, %c0_i32_0 : i32, i32
  }
  func.func @transform_3(%arg0: i32) -> (i32, i32) {
    %c0_i32 = arith.constant 0 : i32
    %c0_i32_0 = arith.constant 0 : i32
    %c0_i32_1 = arith.constant 0 : i32
    return %c0_i32, %c0_i32_0 : i32, i32
  }
  func.func @transform_4(%arg0: i32) -> (i32, i32) {
    %c0_i32 = arith.constant 0 : i32
    %c0_i32_0 = arith.constant 0 : i32
    %c0_i32_1 = arith.constant 0 : i32
    return %c0_i32, %c0_i32_0 : i32, i32
  }
  func.func @transform_5(%arg0: i32) -> (i32, i32, i32) {
    %c0_i32 = arith.constant 0 : i32
    %c0_i32_0 = arith.constant 0 : i32
    %c0_i32_1 = arith.constant 0 : i32
    return %c0_i32, %arg0, %c0_i32_0 : i32, i32, i32
  }
}

module attributes {stable_mosaic.version = 14 : i64} {
  func.func @body(%arg0: i32, %arg1: memref<2x640x64xf32, #tpu.memory_space<vmem>>, %arg2: memref<128x128xf32, #tpu.memory_space<vmem>>, %arg3: memref<1x128xf32, #tpu.memory_space<vmem>>, %arg4: memref<640x128xf32, #tpu.memory_space<vmem>>) attributes {dimension_semantics = [#tpu.dimension_semantics<arbitrary>], iteration_bounds = array<i64: 16>, scalar_prefetch = 0 : i64, scratch_operands = 0 : i64, tpu.core_type = #tpu.core_type<tc>, window_params = [{transform_indices = @transform_0, window_bounds = array<i64: 2, 640, 64>}, {pipeline_mode = #tpu.pipeline_mode<synchronous>, transform_indices = @transform_1, window_bounds = array<i64: 128, 128>}, {pipeline_mode = #tpu.pipeline_mode<synchronous>, transform_indices = @transform_2, window_bounds = array<i64: 1, 128>}, {transform_indices = @transform_3, window_bounds = array<i64: 640, 128>}]} {
    %get3A = arith.constant 0 : index
    %get3A_0 = arith.constant 0 : index
    %get3A_1 = vector.load %arg2[%get3A, %get3A_0] : memref<128x128xf32, #tpu.memory_space<vmem>>, vector<128x128xf32>
    %get3A_2 = arith.constant 0 : index
    %get3A_3 = arith.constant 0 : index
    %get3A_4 = arith.constant 0 : index
    %get3A_5 = vector.load %arg1[%get3A_2, %get3A_3, %get3A_4] : memref<2x640x64xf32, #tpu.memory_space<vmem>>, vector<1x640x64xf32>
    %get3A_6 = vector.shape_cast %get3A_5 : vector<1x640x64xf32> to vector<640x64xf32>
    %slice3A = vector.extract_strided_slice %get3A_1 {offsets = [0, 0], sizes = [64, 128], strides = [1, 1]} : vector<128x128xf32> to vector<64x128xf32>
    %dot_general3A = arith.constant dense<0.000000e+00> : vector<640x128xf32>
    %dot_general3A_7 = tpu.matmul %get3A_6, %slice3A, %dot_general3A {dimension_numbers = #tpu.dot_dimension_numbers<[1], [0], [0], [1], [0, 0, 1, 1], [], []>, transpose_lhs_hint = false} : vector<640x64xf32>, vector<64x128xf32>, vector<640x128xf32> -> vector<640x128xf32>
    %get3A_8 = arith.constant 1 : index
    %get3A_9 = arith.constant 0 : index
    %get3A_10 = arith.constant 0 : index
    %get3A_11 = vector.load %arg1[%get3A_8, %get3A_9, %get3A_10] : memref<2x640x64xf32, #tpu.memory_space<vmem>>, vector<1x640x64xf32>
    %get3A_12 = vector.shape_cast %get3A_11 : vector<1x640x64xf32> to vector<640x64xf32>
    %slice3A_13 = vector.extract_strided_slice %get3A_1 {offsets = [64, 0], sizes = [64, 128], strides = [1, 1]} : vector<128x128xf32> to vector<64x128xf32>
    %dot_general3A_14 = arith.constant dense<0.000000e+00> : vector<640x128xf32>
    %dot_general3A_15 = tpu.matmul %get3A_12, %slice3A_13, %dot_general3A_14 {dimension_numbers = #tpu.dot_dimension_numbers<[1], [0], [0], [1], [0, 0, 1, 1], [], []>, transpose_lhs_hint = false} : vector<640x64xf32>, vector<64x128xf32>, vector<640x128xf32> -> vector<640x128xf32>
    %add3A = arith.addf %dot_general3A_7, %dot_general3A_15 : vector<640x128xf32>
    %get3A_16 = arith.constant 0 : index
    %get3A_17 = arith.constant 0 : index
    %get3A_18 = vector.load %arg3[%get3A_16, %get3A_17] : memref<1x128xf32, #tpu.memory_space<vmem>>, vector<1x128xf32>
    %add3A_19 = vector.broadcast %get3A_18 : vector<1x128xf32> to vector<640x128xf32>
    %add3A_20 = arith.addf %add3A, %add3A_19 : vector<640x128xf32>
    %swap3A = arith.constant 0 : index
    %swap3A_21 = arith.constant 0 : index
    %swap3A_22 = vector.load %arg4[%swap3A, %swap3A_21] : memref<640x128xf32, #tpu.memory_space<vmem>>, vector<640x128xf32>
    tpu.vector_store %arg4[%swap3A, %swap3A_21], %add3A_20 {strides = array<i32>} : memref<640x128xf32, #tpu.memory_space<vmem>>, vector<640x128xf32>,
    return
  }
  func.func @transform_0(%arg0: i32) -> (i32, i32, i32) {
    %c0_i32 = arith.constant 0 : i32
    %c0_i32_0 = arith.constant 0 : i32
    %c0_i32_1 = arith.constant 0 : i32
    return %c0_i32, %arg0, %c0_i32_0 : i32, i32, i32
  }
  func.func @transform_1(%arg0: i32) -> (i32, i32) {
    %c0_i32 = arith.constant 0 : i32
    %c0_i32_0 = arith.constant 0 : i32
    %c0_i32_1 = arith.constant 0 : i32
    return %c0_i32, %c0_i32_0 : i32, i32
  }
  func.func @transform_2(%arg0: i32) -> (i32, i32) {
    %c0_i32 = arith.constant 0 : i32
    %c0_i32_0 = arith.constant 0 : i32
    %c0_i32_1 = arith.constant 0 : i32
    return %c0_i32, %c0_i32_0 : i32, i32
  }
  func.func @transform_3(%arg0: i32) -> (i32, i32) {
    %c0_i32 = arith.constant 0 : i32
    %c0_i32_0 = arith.constant 0 : i32
    return %arg0, %c0_i32 : i32, i32
  }
}

</mosaic_0001>

<sc_bundles>
// kernel: kernel.5.cloned.1.call-start
scs
__scs_entry_jumppad:
0x0: {  	(pc) =	sbr.rel $0x88, $3  }
0x1: {  	(tag) =	ssettag $0x0;
	lr =	simm.s32 $0x1  }
0x2: {  	[smem:$0x3F99] =	sst lr;
	_ =	strace $0xD0000000  }
0x3: {  	_ = 	snop  }
0x4: {  	_ = 	snop  }
0x5: {  	_ = 	snop  }
0x6: {  	_ = 	snop  }
0x7: {  	_ = 	snop  }
__scs_overlays_trampoline_lowered:
0x8: {  	[smem:$0x3FA8] =	sst s0  }
0x9: {  	[smem:$0x3FA9] =	sst s1  }
0xa: {  	[smem:$0x3FAA] =	sst s2  }
0xb: {  	[smem:$0x3FAB] =	sst s3  }
0xc: {  	[smem:$0x3FAC] =	sst s4  }
0xd: {  	[smem:$0x3FAD] =	sst s5  }
0xe: {  	[smem:$0x3FAE] =	sst s6  }
0xf: {  	[smem:$0x3FAF] =	sst s7  }
0x10: {  	[smem:$0x3FB0] =	sst s8  }
0x11: {  	[smem:$0x3FB1] =	sst s9;
	s0 =	simm.s32 @!p0 $0x0  }
0x12: {  	s1 =	sld [smem:$0x3F97];
	s0 =	simm.s32 @p0 $0x1  }
0x13: {  	[smem:$0x3FB2] =	sst s0;
	s0 =	simm.s32 @!p1 $0x0  }
0x14: {  	s2 =	sld [smem:$0x3F96];
	s0 =	simm.s32 @p1 $0x1  }
0x15: {  	[smem:$0x3FB3] =	sst s0;
	s0 =	simm.s32 @!p2 $0x0  }
0x16: {  	s3 =	sld [smem:$0x3FDB];
	s0 =	simm.s32 @p2 $0x1  }
0x17: {  	s4 =	simm.s32 $0x1BF5;
	[smem:$0x3FB5] =	sst s0  }
0x18: {  	s0 =	sld [smem:$0x3F98];
	_ =	swait.ge [sflag:s4], $0x0  }
0x19: {  	s7 =	sld [smem:$0x3F99]  }
0x1a: {  	s8 =	sadd.s32 $0xFFFFE003, lr  }
0x1b: {  	s9 =	sadd.s32 $0xFFFFFEF7, lr;
	s5 =	simm.s32 $0xFFFFFFFF;
	p2 =	slt.u32 s8, $0xFFFFF086  }
0x1c: {  	p1 =	slt.u32 s9, $0xF7A;
	s5 =	simm.s32 @!p2 $0x0  }
0x1d: {  	s5 =	simm.s32 @p1 $0x1;
	p0 =	seq.s32 s7, s2  }
0x1e: {  	s7 =	smul.u32 @!p0 $0xF7A, s2;
	p2 =	seq.s32 @!p0 s5, $0x0  }
0x1f: {  	s9 =	smul.u32 $0xF7A, s1;
	s8 =	simm.s32 @!p0 $0x1BF5;
	p2 =	por !p2, p0  }
0x20: {  	[sflag:s8] =	ssyncset.s32 @!p0 $0xFFFFF086;
	s6 =	sadd.s32 @!p0 s3, s7;
	s7 =	simm.s32 @!p0 $0x108  }
0x21: {  	s3 =	sadd.s32 s3, s9;
	s6 =	sadd.s32 @!p0 $0x88, s6;
	s7 =	simm.s32 @p2 $0x1082  }
0x22: {  	[simem:s7], [sflag:s8] =	dma.local @!p0 [hbm:s6], $0xF7A  }
0x23: {  	s9 =	sor.u32 $0xD0000000, s2;
	s6 =	simm.s32 $0x108;
	_ =	swait.ge @!p0 [sflag:s8], $0x0  }
0x24: {  	s3 =	sadd.s32 $0x88, s3;
	s6 =	simm.s32 @!p1 $0x1082;
	[sflag:s4] =	ssyncset.s32 $0xFFFFF086  }
0x25: {  	[simem:s6], [sflag:s4] =	dma.local [hbm:s3], $0xF7A  }
0x26: {  	[smem:$0x3F99] =	sst s1;
	(tag) =	ssettag s2;
	_ =	strace s9  }
0x27: {  	s1 =	sld [smem:$0x3FA9]  }
0x28: {  	s2 =	sld [smem:$0x3FAA]  }
0x29: {  	s4 =	sld [smem:$0x3FAC]  }
0x2a: {  	p0 =	seq.s32 s5, $0x0;
	s5 =	sld [smem:$0x3FAD]  }
0x2b: {  	s6 =	sld [smem:$0x3FAE]  }
0x2c: {  	s7 =	sld [smem:$0x3FAF]  }
0x2d: {  	s3 =	simm.s32 $0x108;
	s8 =	sld [smem:$0x3FB0]  }
0x2e: {  	s3 =	simm.s32 @!p0 $0x1082;
	s9 =	sld [smem:$0x3FB1]  }
0x2f: {  	lr =	sadd.s32 s0, s3;
	s0 =	sld [smem:$0x3FA8]  }
0x30: {  	s3 =	sld [smem:$0x3FAB]  }
0x31: {  	[smem:$0x3FB4] =	sst s10  }
0x32: {  	s10 =	sld [smem:$0x3FB2];
	_ =	sdelay $0x3  }
0x33: {  	p0 =	seq.s32 s10, $0x1;
	s10 =	sld [smem:$0x3FB4];
	_ =	sdelay $0x3  }
0x34: {  	[smem:$0x3FB4] =	sst s10  }
0x35: {  	s10 =	sld [smem:$0x3FB3];
	_ =	sdelay $0x3  }
0x36: {  	p1 =	seq.s32 s10, $0x1;
	s10 =	sld [smem:$0x3FB4];
	_ =	sdelay $0x3  }
0x37: {  	[smem:$0x3FB4] =	sst s10  }
0x38: {  	s10 =	sld [smem:$0x3FB5]  }
0x39: {  	_ = 	snop;
	(pc) =	sbr.ind lr, $3  }
0x3a: {  	_ = 	snop  }
0x3b: {  	_ = 	snop  }
0x3c: {  	p2 =	seq.s32 s10, $0x1;
	s10 =	sld [smem:$0x3FB4]  }
0x3d: {  	_ =	shalt  }
0x3e: {  	_ =	shalt  }
0x3f: {  	_ =	shalt  }
0x40: {  	_ =	shalt  }
0x41: {  	_ =	shalt  }
0x42: {  	_ =	shalt  }
0x43: {  	_ =	shalt  }
0x44: {  	_ =	shalt  }
0x45: {  	_ =	shalt  }
0x46: {  	_ =	shalt  }
0x47: {  	_ =	shalt  }
0x48: {  	_ =	shalt  }
0x49: {  	_ =	shalt  }
0x4a: {  	_ =	shalt  }
0x4b: {  	_ =	shalt  }
0x4c: {  	_ =	shalt  }
0x4d: {  	_ =	shalt  }
0x4e: {  	_ =	shalt  }
0x4f: {  	_ =	shalt  }
0x50: {  	_ =	shalt  }
0x51: {  	_ =	shalt  }
0x52: {  	_ =	shalt  }
0x53: {  	_ =	shalt  }
0x54: {  	_ =	shalt  }
0x55: {  	_ =	shalt  }
0x56: {  	_ =	shalt  }
0x57: {  	_ =	shalt  }
0x58: {  	_ =	shalt  }
0x59: {  	_ =	shalt  }
0x5a: {  	_ =	shalt  }
0x5b: {  	_ =	shalt  }
0x5c: {  	_ =	shalt  }
0x5d: {  	_ =	shalt  }
0x5e: {  	_ =	shalt  }
0x5f: {  	_ =	shalt  }
0x60: {  	_ =	shalt  }
0x61: {  	_ =	shalt  }
0x62: {  	_ =	shalt  }
0x63: {  	_ =	shalt  }
0x64: {  	_ =	shalt  }
0x65: {  	_ =	shalt  }
0x66: {  	_ =	shalt  }
0x67: {  	_ =	shalt  }
0x68: {  	_ =	shalt  }
0x69: {  	_ =	shalt  }
0x6a: {  	_ =	shalt  }
0x6b: {  	_ =	shalt  }
0x6c: {  	_ =	shalt  }
0x6d: {  	_ =	shalt  }
0x6e: {  	_ =	shalt  }
0x6f: {  	_ =	shalt  }
0x70: {  	_ =	shalt  }
0x71: {  	_ =	shalt  }
0x72: {  	_ =	shalt  }
0x73: {  	_ =	shalt  }
0x74: {  	_ =	shalt  }
0x75: {  	_ =	shalt  }
0x76: {  	_ =	shalt  }
0x77: {  	_ =	shalt  }
0x78: {  	_ =	shalt  }
0x79: {  	_ =	shalt  }
0x7a: {  	_ =	shalt  }
0x7b: {  	_ =	shalt  }
0x7c: {  	_ =	shalt  }
0x7d: {  	_ =	shalt  }
0x7e: {  	_ =	shalt  }
0x7f: {  	_ =	shalt  }
0x80: {  	_ =	shalt  }
0x81: {  	_ =	shalt  }
0x82: {  	_ =	shalt  }
0x83: {  	_ =	shalt  }
0x84: {  	_ =	shalt  }
0x85: {  	_ =	shalt  }
0x86: {  	_ =	shalt  }
0x87: {  	_ =	shalt  }
.Lfunc_end0:
.L_simem_size_0:
called_computation_lowered:
.L_overlay_start_0:
0x88: {  	s2 =	sld [smem:$0x3FD9]  }
0x89: {  	s3 =	sld [smem:$0x3FFE];
	_ =	sdelay $0x1  }
0x8a: {  	s1 =	srdreg.scid  }
0x8b: {  	s0 =	sand.u32 $0x1, s1  }
0x8c: {  	s17 =	sshll.u32 s0, $0xA;
	s2 =	sadd.s32 s3, s2  }
0x8d: {  	s2 =	sadd.s32 s2, s17  }
0x8e: {  	[smem:$0x3FC0] =	sst s2  }
0x8f: {  	_ = 	snop  }
0x90: {  	s2 =	sld [smem:$0x3FD0];
	(tm) =	ssettm $0x1  }
0x91: {  	s18 =	sld [smem:$0x3FFB];
	_ =	sdelay $0x3  }
0x92: {  	_ =	strace s18  }
0x93: {  	s3 =	sld [smem:$0x3FFC];
	_ =	sdelay $0x3  }
0x94: {  	_ =	strace s3  }
0x95: {  	s3 =	sld [smem:$0x3FFD];
	_ =	sdelay $0x3  }
0x96: {  	_ =	strace s3  }
0x97: {  	_ =	strace $0x8FFFFFFF  }
0x98: {  	s19 =	sld [smem:$0x3FDB];
	_ =	sdelay $0x1  }
0x99: {  	s4 =	simm.s32 $_scs_section_size  }
0x9a: {  	s5 =	simm.s32 $_size__tile_overlayer_lowered;
	s6 =	simm.s32 $_tile_overlayer_lowered  }
0x9b: {  	s22 =	simm.s32 $0x1BFF;
	s21 =	sshll.u32 s6, $0x1;
	s3 =	sadd.s32 s4, s19  }
0x9c: {  	s7 =	simm.s32 $0x0;
	s20 =	sshll.u32 s5, $0x1;
	s5 =	sadd.s32 s21, s3  }
0x9d: {  	[timem:s7], [sflag:s22] =	dma.local [hbm:s5], s20  }
0x9e: {  	_ =	swait.ge [sflag:s22], s20  }
0x9f: {  	s4 =	ssub.s32 $0x0, s20;
	[sflag:s22] =	ssyncset.done $0x0  }
0xa0: {  	[sflag:s22] =	ssyncadd.s32 s4;
	_ =	sdelay $0x1  }
0xa1: {  	s23 =	simm.s32 $0x1B8B  }
0xa2: {  	_ =	swait.ge [sflag:s23], $0x1  }
0xa3: {  	[sflag:s23] =	ssyncset.done $0x0  }
0xa4: {  	s25 =	simm.s32 $0x1B8E;
	s24 =	sld [smem:$0x3FFE];
	[sflag:s23] =	ssyncadd.s32 $0xFFFFFFFF  }
0xa5: {  	s26 =	simm.s32 $execute0_lowered;
	[smem:$0x3FD2] =	sst s25  }
0xa6: {  	s5 =	sshll.u32 s26, $0x1;
	_ =	strace $0x80000046;
	[dreg:$0x1] =	wrdreg $0xFFFFFFFF  }
0xa7: {  	s28 =	simm.s32 $_size_execute0_lowered;
	s3 =	sadd.s32 s3, s5;
	[dreg:$0x0] =	wrdreg $0x0  }
0xa8: {  	s5 =	sshll.u32 s28, $0x1;
	[dreg:$0x2] =	wrdreg s3  }
0xa9: {  	[dreg:$0x3] =	wrdreg s5  }
0xaa: {  	[dreg:$0x4] =	wrdreg $0xC0  }
0xab: {  	_ =	task [dreg:s7], $0x5FFFF  }
0xac: {  	[dreg:$0x1] =	wrdreg $0xFFFFFFFF  }
0xad: {  	[dreg:$0x0] =	wrdreg $0x60  }
0xae: {  	[dreg:$0x2] =	wrdreg s24  }
0xaf: {  	[dreg:$0x3] =	wrdreg s2  }
0xb0: {  	[dreg:$0x4] =	wrdreg $0x140000  }
0xb1: {  	[dreg:$0x5] =	wrdreg $0x0  }
0xb2: {  	[dreg:$0x6] =	wrdreg $0x9  }
0xb3: {  	_ =	task.clear_ibuf [dreg:s7], $0x7FFFF;
	_ =	strace $0x90000046  }
0xb4: {  	s29 =	simm.s32 $0x9;
	_ =	strace $0x80000048  }
0xb5: {  	_ =	swait.ge [sflag:s29], $0x1  }
0xb6: {  	[sflag:s29] =	ssyncadd.s32 $0xFFFFFFFF  }
0xb7: {  	_ =	strace $0x90000048  }
0xb8: {  	_ =	sfence  }
0xb9: {  	s30 =	sld [smem:$0x0];
	_ =	sdelay $0x2  }
0xba: {  	s31 =	sshll.u32 s1, $0xD;
	s1 =	sshrl.u32 s1, $0x2  }
0xbb: {  	s3 =	sand.u32 $0x4000, s31;
	s1 =	sadd.s32 s1, s30  }
0xbc: {  	s0 =	sor.u32 s3, s0;
	s1 =	sshll.u32 s1, $0x11  }
0xbd: {  	s0 =	sor.u32 s1, s0  }
0xbe: {  	s0 =	sadd.s32 $0x8F2B, s0  }
0xbf: {  	[sflag:s0] =	ssyncadd.remote.s32 $0x1  }
0xc0: {  	_ =	sfence.sel $0xFFFF  }
0xc1: {  	[dreg:$0x0] =	wrdreg $0xFFFFFFFF;
	(pc) =	sbr.abs _section_cstart, $3  }
0xc2: {  	[dreg:$0x1] =	wrdreg $0xFFFFFFFF  }
0xc3: {  	_ =	task.clear_ibuf [dreg:s7], $0x2FFFF;
	_ =	strace $0x9FFFFFFF  }
0xc4: {  	(tm) =	ssettm $0x7FFFFFFF  }
0xc5: {  	_ =	shalt  }
tec
execute0_lowered:
.L_overlay_start_1:
0x0: {  	(tag) =	ssettag $0x1  }
0x1: {  	s0 =	rddreg [dreg:$0x0]  }
0x2: {  	s9 =	rddreg [dreg:$0x1];
	s10 =	stileid.u32  }
0x3: {  	s2 =	rddreg [dreg:$0x2];
	s14 =	smul.u32 $0x280, s10  }
0x4: {  	s4 =	rddreg [dreg:$0x3];
	s8 =	smul.u32 $0x5000, s10  }
0x5: {  	s5 =	simm.s32 $0x0;
	s1 =	srdreg.scid;
	s18 =	smul.u32 $0xA00, s10  }
0x6: {  	s30 =	simm.s32 $0x14B80;
	s28 =	simm.s32 $0x1E380;
	s20 =	smul.u32 $0xA000, s10  }
0x7: {  	s29 =	simm.s32 $0x0;
	[smem:$0x7FF] =	sst s5;
	s22 =	smul.u32 $0x28000, s10  }
0x8: {  	s1 =	sand.u32 $0x1, s1;
	s15 =	sadd.s32 $0x1000, s0;
	s24 =	smul.u32 $0x1400, s10  }
0x9: {  	s12 =	sadd.s32 $0x29000, s0;
	s11 =	sadd.s32 $0x33000, s0;
	s3 =	smul.u32 $0x2800, s1  }
0xa: {  	_ =	strace $0x80000047;
	s7 =	smul.u32 $0x50000, s1;
	[dreg:$0x9] =	wrdreg s12  }
0xb: {  	s10 =	simm.s32 $0x14600;
	s13 =	smul.u32 $0xA0000, s1;
	[dreg:$0x7] =	wrdreg s15  }
0xc: {  	s16 =	ssub.s32 $0x2, s1;
	s1 =	smul.u32 $0x14000, s1;
	[dreg:$0x5] =	wrdreg s14  }
0xd: {  	s6 =	sshrl.u32 s16, $0x1;
	s31 =	sadd.s32 s14, s2;
	[dreg:$0x8] =	wrdreg s8  }
0xe: {  	s19 =	sshrl.u32 s8, $0x3;
	s25 =	sshrl.u32 s22, $0x2;
	s22 =	simm.s32 $0x14780  }
0xf: {  	s14 =	simm.s32 $0x14880;
	[dreg:$0x6] =	wrdreg s3;
	s17 =	ssub.s32 s16, s6  }
0x10: {  	s7 =	sadd.s32 s8, s7;
	s6 =	sadd.s32 s12, s19;
	[dreg:$0xa] =	wrdreg s13  }
0x11: {  	s23 =	sadd.s32 s20, s13;
	s1 =	sadd.s32 s1, s11;
	s8 =	simm.s32 $0x14580  }
0x12: {  	s20 =	simm.s32 $0x14800;
	s19 =	simm.s32 $0x14A00;
	[dreg:$0xb] =	wrdreg s31  }
0x13: {  	s3 =	simm.s32 $0x14C00;
	s13 =	simm.s32 $0x3;
	[dreg:$0xc] =	wrdreg s7  }
0x14: {  	s16 =	simm.s32 $0x8;
	s7 =	sshrl.u32 s7, $0x3;
	[dreg:$0xd] =	wrdreg s6  }
0x15: {  	s0 =	smax.u32 s17, $0x1;
	s26 =	sadd.s32 s24, s1;
	s6 =	simm.s32 $0x1E100  }
0x16: {  	s24 =	simm.s32 $0x14B00;
	s17 =	simm.s32 $0x14C80;
	s1 =	simm.s32 $0x9  }
0x17: {  	s21 =	sadd.s32 s9, s7;
	[dreg:$0xf] =	wrdreg s0;
	s9 =	sadd.s32 s18, s12  }
0x18: {  	s0 =	sshrl.u32 s23, $0x3;
	[dreg:$0x13] =	wrdreg s26;
	s23 =	simm.s32 $0xC  }
0x19: {  	s7 =	simm.s32 $0x14500;
	s26 =	simm.s32 $0x1E600;
	s18 =	simm.s32 $0x14700  }
0x1a: {  	s12 =	simm.s32 $0x14A80;
	[dreg:$0xe] =	wrdreg s21;
	s0 =	sadd.s32 s0, s15  }
0x1b: {  	s21 =	simm.s32 $0x14900;
	s15 =	simm.s32 $0x7;
	[dreg:$0x10] =	wrdreg s9  }
0x1c: {  	[dreg:$0x11] =	wrdreg s0;
	s0 =	sadd.s32 s25, s4;
	s25 =	simm.s32 $0x80  }
0x1d: {  	v0 =	vimm.f32 $0.0e+00;
	v1 =	vimm.f32 $1.000000000e+00;
	s4 =	simm.s32 $0x14980;
	[dreg:$0x12] =	wrdreg s0;
	s0 =	simm.s32 $0x14680  }
.LBB2_1:
0x1e: {  	[tilespmem:$0x1E100] =	vst v0  }
0x1f: {  	[tilespmem:$0x1E110] =	vst v0  }
0x20: {  	[tilespmem:$0x1E120] =	vst v0  }
0x21: {  	[tilespmem:$0x1E130] =	vst v0  }
0x22: {  	[tilespmem:$0x1E140] =	vst v0  }
0x23: {  	[tilespmem:$0x1E150] =	vst v0  }
0x24: {  	[tilespmem:$0x1E160] =	vst v0  }
0x25: {  	[tilespmem:$0x1E170] =	vst v0  }
0x26: {  	[tilespmem:$0x1E180] =	vst v0  }
0x27: {  	[tilespmem:$0x1E190] =	vst v0  }
0x28: {  	[tilespmem:$0x1E1A0] =	vst v0  }
0x29: {  	[tilespmem:$0x1E1B0] =	vst v0  }
0x2a: {  	[tilespmem:$0x1E1C0] =	vst v0  }
0x2b: {  	[tilespmem:$0x1E1D0] =	vst v0  }
0x2c: {  	[tilespmem:$0x1E1E0] =	vst v0  }
0x2d: {  	[tilespmem:$0x1E1F0] =	vst v0  }
0x2e: {  	[tilespmem:$0x1E200] =	vst v0  }
0x2f: {  	[tilespmem:$0x1E210] =	vst v0  }
0x30: {  	[tilespmem:$0x1E220] =	vst v0  }
0x31: {  	[tilespmem:$0x1E230] =	vst v0  }
0x32: {  	[tilespmem:$0x1E240] =	vst v0  }
0x33: {  	[tilespmem:$0x1E250] =	vst v0  }
0x34: {  	[tilespmem:$0x1E260] =	vst v0  }
0x35: {  	[tilespmem:$0x1E270] =	vst v0  }
0x36: {  	[tilespmem:$0x1E280] =	vst v0  }
0x37: {  	[tilespmem:$0x1E290] =	vst v0  }
0x38: {  	[tilespmem:$0x1E2A0] =	vst v0  }
0x39: {  	[tilespmem:$0x1E2B0] =	vst v0  }
0x3a: {  	[tilespmem:$0x1E2C0] =	vst v0  }
0x3b: {  	[tilespmem:$0x1E2D0] =	vst v0  }
0x3c: {  	[tilespmem:$0x1E2E0] =	vst v0  }
0x3d: {  	[tilespmem:$0x1E2F0] =	vst v0  }
0x3e: {  	[tilespmem:$0x1E300] =	vst v0  }
0x3f: {  	[tilespmem:$0x1E310] =	vst v0  }
0x40: {  	[tilespmem:$0x1E320] =	vst v0  }
0x41: {  	[tilespmem:$0x1E330] =	vst v0  }
0x42: {  	[tilespmem:$0x1E340] =	vst v0  }
0x43: {  	[tilespmem:$0x1E350] =	vst v0  }
0x44: {  	[tilespmem:$0x1E360] =	vst v0  }
0x45: {  	[tilespmem:$0x1E370] =	vst v0  }
0x46: {  	[tilespmem:$0x1E600] =	vst v1  }
0x47: {  	[tilespmem:$0x1E610] =	vst v1  }
0x48: {  	[tilespmem:$0x1E620] =	vst v1  }
0x49: {  	[tilespmem:$0x1E630] =	vst v1  }
0x4a: {  	[tilespmem:$0x1E640] =	vst v1  }
0x4b: {  	[tilespmem:$0x1E650] =	vst v1  }
0x4c: {  	[tilespmem:$0x1E660] =	vst v1  }
0x4d: {  	[dreg:$0x14] =	wrdreg s29;
	[tilespmem:$0x1E670] =	vst v1  }
0x4e: {  	[spmem:s31] =	stream.linear.scatter [tilespmem:s6], [sflag:$0xC], $0x280, $0x38;
	[tilespmem:$0x1E680] =	vst v63  }
0x4f: {  	_ =	swait.ge [sflag:s23], $0x280  }
0x50: {  	[sflag:s23] =	ssyncset.done $0x0  }
0x51: {  	[sflag:s23] =	ssyncadd.s32 $0xFFFFFD80  }
0x52: {  	s6 =	sadd.s32 $0x0, s9;
	[bflag:$0x0] =	sbarrier.arrive $0xFFFF  }
0x53: {  	[tilespmem:s7], [sflag:$0xC] =	stream.linear.gather [hbm4b:s6+s5], $0x800, $0x38;
	[tilespmem:$0x1E680] =	vst v63  }
0x54: {  	_ =	swait.ge [sflag:s23], $0x800  }
0x55: {  	[sflag:s23] =	ssyncset.done $0x0  }
0x56: {  	[sflag:s23] =	ssyncadd.s32 $0xFFFFF800  }
0x57: {  	[spmem:s2] =	stream.indirect.scatter.add.f32 [tilespmem:s26], [sflag:$0xC], $0x1, s7, s25, $0xb8;
	[tilespmem:$0x1E680] =	vst v63  }
0x58: {  	_ =	swait.ge [sflag:s23], $0x80  }
0x59: {  	[sflag:s23] =	ssyncset.done $0x0  }
0x5a: {  	[sflag:s23] =	ssyncadd.s32 $0xFFFFFF80  }
0x5b: {  	[spmem:s2] =	stream.indirect.scatter.add.f32 [tilespmem:s26], [sflag:$0xC], $0x1, s8, s25, $0xb8;
	[tilespmem:$0x1E680] =	vst v63  }
0x5c: {  	_ =	swait.ge [sflag:s23], $0x80  }
0x5d: {  	[sflag:s23] =	ssyncset.done $0x0  }
0x5e: {  	[sflag:s23] =	ssyncadd.s32 $0xFFFFFF80  }
0x5f: {  	[spmem:s2] =	stream.indirect.scatter.add.f32 [tilespmem:s26], [sflag:$0xC], $0x1, s10, s25, $0xb8;
	[tilespmem:$0x1E680] =	vst v63  }
0x60: {  	_ =	swait.ge [sflag:s23], $0x80  }
0x61: {  	[sflag:s23] =	ssyncset.done $0x0  }
0x62: {  	[sflag:s23] =	ssyncadd.s32 $0xFFFFFF80  }
0x63: {  	[spmem:s2] =	stream.indirect.scatter.add.f32 [tilespmem:s26], [sflag:$0xC], $0x1, s0, s25, $0xb8;
	[tilespmem:$0x1E680] =	vst v63  }
0x64: {  	_ =	swait.ge [sflag:s23], $0x80  }
0x65: {  	[sflag:s23] =	ssyncset.done $0x0  }
0x66: {  	[sflag:s23] =	ssyncadd.s32 $0xFFFFFF80  }
0x67: {  	[spmem:s2] =	stream.indirect.scatter.add.f32 [tilespmem:s26], [sflag:$0xC], $0x1, s18, s25, $0xb8;
	[tilespmem:$0x1E680] =	vst v63  }
0x68: {  	_ =	swait.ge [sflag:s23], $0x80  }
0x69: {  	[sflag:s23] =	ssyncset.done $0x0  }
0x6a: {  	[sflag:s23] =	ssyncadd.s32 $0xFFFFFF80  }
0x6b: {  	[spmem:s2] =	stream.indirect.scatter.add.f32 [tilespmem:s26], [sflag:$0xC], $0x1, s22, s25, $0xb8;
	[tilespmem:$0x1E680] =	vst v63  }
0x6c: {  	_ =	swait.ge [sflag:s23], $0x80  }
0x6d: {  	[sflag:s23] =	ssyncset.done $0x0  }
0x6e: {  	[sflag:s23] =	ssyncadd.s32 $0xFFFFFF80  }
0x6f: {  	[spmem:s2] =	stream.indirect.scatter.add.f32 [tilespmem:s26], [sflag:$0xC], $0x1, s20, s25, $0xb8;
	[tilespmem:$0x1E680] =	vst v63  }
0x70: {  	_ =	swait.ge [sflag:s23], $0x80  }
0x71: {  	[sflag:s23] =	ssyncset.done $0x0  }
0x72: {  	[sflag:s23] =	ssyncadd.s32 $0xFFFFFF80  }
0x73: {  	[spmem:s2] =	stream.indirect.scatter.add.f32 [tilespmem:s26], [sflag:$0xC], $0x1, s14, s25, $0xb8;
	[tilespmem:$0x1E680] =	vst v63  }
0x74: {  	_ =	swait.ge [sflag:s23], $0x80  }
0x75: {  	[sflag:s23] =	ssyncset.done $0x0  }
0x76: {  	[sflag:s23] =	ssyncadd.s32 $0xFFFFFF80  }
0x77: {  	[spmem:s2] =	stream.indirect.scatter.add.f32 [tilespmem:s26], [sflag:$0xC], $0x1, s21, s25, $0xb8;
	[tilespmem:$0x1E680] =	vst v63  }
0x78: {  	_ =	swait.ge [sflag:s23], $0x80  }
0x79: {  	[sflag:s23] =	ssyncset.done $0x0  }
0x7a: {  	[sflag:s23] =	ssyncadd.s32 $0xFFFFFF80  }
0x7b: {  	[spmem:s2] =	stream.indirect.scatter.add.f32 [tilespmem:s26], [sflag:$0xC], $0x1, s4, s25, $0xb8;
	[tilespmem:$0x1E680] =	vst v63  }
0x7c: {  	_ =	swait.ge [sflag:s23], $0x80  }
0x7d: {  	[sflag:s23] =	ssyncset.done $0x0  }
0x7e: {  	[sflag:s23] =	ssyncadd.s32 $0xFFFFFF80  }
0x7f: {  	[spmem:s2] =	stream.indirect.scatter.add.f32 [tilespmem:s26], [sflag:$0xC], $0x1, s19, s25, $0xb8;
	[tilespmem:$0x1E680] =	vst v63  }
0x80: {  	_ =	swait.ge [sflag:s23], $0x80  }
0x81: {  	[sflag:s23] =	ssyncset.done $0x0  }
0x82: {  	[sflag:s23] =	ssyncadd.s32 $0xFFFFFF80  }
0x83: {  	[spmem:s2] =	stream.indirect.scatter.add.f32 [tilespmem:s26], [sflag:$0xC], $0x1, s12, s25, $0xb8;
	[tilespmem:$0x1E680] =	vst v63  }
0x84: {  	_ =	swait.ge [sflag:s23], $0x80  }
0x85: {  	[sflag:s23] =	ssyncset.done $0x0  }
0x86: {  	[sflag:s23] =	ssyncadd.s32 $0xFFFFFF80  }
0x87: {  	[spmem:s2] =	stream.indirect.scatter.add.f32 [tilespmem:s26], [sflag:$0xC], $0x1, s24, s25, $0xb8;
	[tilespmem:$0x1E680] =	vst v63  }
0x88: {  	_ =	swait.ge [sflag:s23], $0x80  }
0x89: {  	[sflag:s23] =	ssyncset.done $0x0  }
0x8a: {  	[sflag:s23] =	ssyncadd.s32 $0xFFFFFF80  }
0x8b: {  	[spmem:s2] =	stream.indirect.scatter.add.f32 [tilespmem:s26], [sflag:$0xC], $0x1, s30, s25, $0xb8;
	[tilespmem:$0x1E680] =	vst v63  }
0x8c: {  	s29 =	simm.s32 $0x100;
	s31 =	simm.s32 $0x14B80;
	_ =	swait.ge [sflag:s23], $0x80  }
0x8d: {  	s7 =	simm.s32 $0x200;
	s0 =	simm.s32 $0x14680;
	[sflag:s23] =	ssyncset.done $0x0  }
0x8e: {  	s18 =	simm.s32 $0x14600;
	s22 =	simm.s32 $0x14700;
	[sflag:s23] =	ssyncadd.s32 $0xFFFFFF80  }
0x8f: {  	[spmem:s2] =	stream.indirect.scatter.add.f32 [tilespmem:s26], [sflag:$0xC], $0x1, s3, s25, $0xb8;
	[tilespmem:$0x1E680] =	vst v63  }
0x90: {  	s20 =	simm.s32 $0x14780;
	s14 =	simm.s32 $0x14800;
	_ =	swait.ge [sflag:s23], $0x80  }
0x91: {  	s21 =	simm.s32 $0x14880;
	s4 =	simm.s32 $0x14980;
	[sflag:s23] =	ssyncset.done $0x0  }
0x92: {  	s19 =	simm.s32 $0x14A00;
	s12 =	simm.s32 $0x14A80;
	[sflag:s23] =	ssyncadd.s32 $0xFFFFFF80  }
0x93: {  	[spmem:s2] =	stream.indirect.scatter.add.f32 [tilespmem:s26], [sflag:$0xC], $0x1, s17, s25, $0xb8;
	[tilespmem:$0x1E680] =	vst v63  }
0x94: {  	s24 =	simm.s32 $0x14900;
	s30 =	simm.s32 $0x14B00;
	_ =	swait.ge [sflag:s23], $0x80  }
0x95: {  	s3 =	simm.s32 $0x14C00;
	s17 =	simm.s32 $0x14C80;
	[sflag:s23] =	ssyncset.done $0x0  }
.LBB2_2:
0x96: {  	s10 =	simm.s32 $0x14500;
	s8 =	sadd.s32 s29, s9  }
0x97: {  	[sflag:s23] =	ssyncadd.s32 $0xFFFFFF80;
	s29 =	smov.u32 s7;
	s6 =	sadd.s32 $0x100, s7  }
0x98: {  	[tilespmem:s10], [sflag:$0xC] =	stream.linear.gather [hbm4b:s8+s5], $0x800, $0x38;
	[tilespmem:$0x1E680] =	vst v63  }
0x99: {  	s10 =	simm.s32 $0x14580;
	s8 =	simm.s32 $0x14500  }
0x9a: {  	p0 =	sne.s32 s7, $0x900;
	_ =	swait.ge [sflag:s23], $0x800  }
0x9b: {  	[sflag:s23] =	ssyncset.done $0x0  }
0x9c: {  	[sflag:s23] =	ssyncadd.s32 $0xFFFFF800  }
0x9d: {  	[spmem:s2] =	stream.indirect.scatter.add.f32 [tilespmem:s26], [sflag:$0xC], $0x1, s8, s25, $0xb8;
	[tilespmem:$0x1E680] =	vst v63  }
0x9e: {  	_ =	swait.ge [sflag:s23], $0x80  }
0x9f: {  	[sflag:s23] =	ssyncset.done $0x0  }
0xa0: {  	[sflag:s23] =	ssyncadd.s32 $0xFFFFFF80  }
0xa1: {  	[spmem:s2] =	stream.indirect.scatter.add.f32 [tilespmem:s26], [sflag:$0xC], $0x1, s10, s25, $0xb8;
	[tilespmem:$0x1E680] =	vst v63  }
0xa2: {  	_ =	swait.ge [sflag:s23], $0x80  }
0xa3: {  	[sflag:s23] =	ssyncset.done $0x0  }
0xa4: {  	[sflag:s23] =	ssyncadd.s32 $0xFFFFFF80  }
0xa5: {  	[spmem:s2] =	stream.indirect.scatter.add.f32 [tilespmem:s26], [sflag:$0xC], $0x1, s18, s25, $0xb8;
	[tilespmem:$0x1E680] =	vst v63  }
0xa6: {  	_ =	swait.ge [sflag:s23], $0x80  }
0xa7: {  	[sflag:s23] =	ssyncset.done $0x0  }
0xa8: {  	[sflag:s23] =	ssyncadd.s32 $0xFFFFFF80  }
0xa9: {  	[spmem:s2] =	stream.indirect.scatter.add.f32 [tilespmem:s26], [sflag:$0xC], $0x1, s0, s25, $0xb8;
	[tilespmem:$0x1E680] =	vst v63  }
0xaa: {  	_ =	swait.ge [sflag:s23], $0x80  }
0xab: {  	[sflag:s23] =	ssyncset.done $0x0  }
0xac: {  	[sflag:s23] =	ssyncadd.s32 $0xFFFFFF80  }
0xad: {  	[spmem:s2] =	stream.indirect.scatter.add.f32 [tilespmem:s26], [sflag:$0xC], $0x1, s22, s25, $0xb8;
	[tilespmem:$0x1E680] =	vst v63  }
0xae: {  	_ =	swait.ge [sflag:s23], $0x80  }
0xaf: {  	[sflag:s23] =	ssyncset.done $0x0  }
0xb0: {  	[sflag:s23] =	ssyncadd.s32 $0xFFFFFF80  }
0xb1: {  	[spmem:s2] =	stream.indirect.scatter.add.f32 [tilespmem:s26], [sflag:$0xC], $0x1, s20, s25, $0xb8;
	[tilespmem:$0x1E680] =	vst v63  }
0xb2: {  	_ =	swait.ge [sflag:s23], $0x80  }
0xb3: {  	[sflag:s23] =	ssyncset.done $0x0  }
0xb4: {  	[sflag:s23] =	ssyncadd.s32 $0xFFFFFF80  }
0xb5: {  	[spmem:s2] =	stream.indirect.scatter.add.f32 [tilespmem:s26], [sflag:$0xC], $0x1, s14, s25, $0xb8;
	[tilespmem:$0x1E680] =	vst v63  }
0xb6: {  	_ =	swait.ge [sflag:s23], $0x80  }
0xb7: {  	[sflag:s23] =	ssyncset.done $0x0  }
0xb8: {  	[sflag:s23] =	ssyncadd.s32 $0xFFFFFF80  }
0xb9: {  	[spmem:s2] =	stream.indirect.scatter.add.f32 [tilespmem:s26], [sflag:$0xC], $0x1, s21, s25, $0xb8;
	[tilespmem:$0x1E680] =	vst v63  }
0xba: {  	_ =	swait.ge [sflag:s23], $0x80  }
0xbb: {  	[sflag:s23] =	ssyncset.done $0x0  }
0xbc: {  	[sflag:s23] =	ssyncadd.s32 $0xFFFFFF80  }
0xbd: {  	[spmem:s2] =	stream.indirect.scatter.add.f32 [tilespmem:s26], [sflag:$0xC], $0x1, s24, s25, $0xb8;
	[tilespmem:$0x1E680] =	vst v63  }
0xbe: {  	_ =	swait.ge [sflag:s23], $0x80  }
0xbf: {  	[sflag:s23] =	ssyncset.done $0x0  }
0xc0: {  	[sflag:s23] =	ssyncadd.s32 $0xFFFFFF80  }
0xc1: {  	[spmem:s2] =	stream.indirect.scatter.add.f32 [tilespmem:s26], [sflag:$0xC], $0x1, s4, s25, $0xb8;
	[tilespmem:$0x1E680] =	vst v63  }
0xc2: {  	_ =	swait.ge [sflag:s23], $0x80  }
0xc3: {  	[sflag:s23] =	ssyncset.done $0x0  }
0xc4: {  	[sflag:s23] =	ssyncadd.s32 $0xFFFFFF80  }
0xc5: {  	[spmem:s2] =	stream.indirect.scatter.add.f32 [tilespmem:s26], [sflag:$0xC], $0x1, s19, s25, $0xb8;
	[tilespmem:$0x1E680] =	vst v63  }
0xc6: {  	_ =	swait.ge [sflag:s23], $0x80  }
0xc7: {  	[sflag:s23] =	ssyncset.done $0x0  }
0xc8: {  	[sflag:s23] =	ssyncadd.s32 $0xFFFFFF80  }
0xc9: {  	[spmem:s2] =	stream.indirect.scatter.add.f32 [tilespmem:s26], [sflag:$0xC], $0x1, s12, s25, $0xb8;
	[tilespmem:$0x1E680] =	vst v63  }
0xca: {  	_ =	swait.ge [sflag:s23], $0x80  }
0xcb: {  	[sflag:s23] =	ssyncset.done $0x0  }
0xcc: {  	[sflag:s23] =	ssyncadd.s32 $0xFFFFFF80  }
0xcd: {  	[spmem:s2] =	stream.indirect.scatter.add.f32 [tilespmem:s26], [sflag:$0xC], $0x1, s30, s25, $0xb8;
	[tilespmem:$0x1E680] =	vst v63  }
0xce: {  	_ =	swait.ge [sflag:s23], $0x80  }
0xcf: {  	[sflag:s23] =	ssyncset.done $0x0  }
0xd0: {  	[sflag:s23] =	ssyncadd.s32 $0xFFFFFF80  }
0xd1: {  	[spmem:s2] =	stream.indirect.scatter.add.f32 [tilespmem:s26], [sflag:$0xC], $0x1, s31, s25, $0xb8;
	[tilespmem:$0x1E680] =	vst v63  }
0xd2: {  	_ =	swait.ge [sflag:s23], $0x80  }
0xd3: {  	[sflag:s23] =	ssyncset.done $0x0  }
0xd4: {  	[sflag:s23] =	ssyncadd.s32 $0xFFFFFF80  }
0xd5: {  	[spmem:s2] =	stream.indirect.scatter.add.f32 [tilespmem:s26], [sflag:$0xC], $0x1, s3, s25, $0xb8;
	[tilespmem:$0x1E680] =	vst v63  }
0xd6: {  	_ =	swait.ge [sflag:s23], $0x80  }
.Ltmp0:
0xd7: {  	[sflag:s23] =	ssyncset.done $0x0;
	(pc) =	sbr.rel @p0 .LBB2_2-.Ltmp0, $4  }
0xd8: {  	[sflag:s23] =	ssyncadd.s32 $0xFFFFFF80  }
0xd9: {  	[spmem:s2] =	stream.indirect.scatter.add.f32 [tilespmem:s26], [sflag:$0xC], $0x1, s17, s25, $0xb8;
	[tilespmem:$0x1E680] =	vst v63  }
0xda: {  	_ =	swait.ge [sflag:s23], $0x80  }
0xdb: {  	s7 =	smov.u32 s6;
	[sflag:s23] =	ssyncset.done $0x0  }
0xdc: {  	s6 =	sadd.s32 s29, s9;
	[sflag:s23] =	ssyncadd.s32 $0xFFFFFF80  }
0xdd: {  	[tilespmem:s8], [sflag:$0xC] =	stream.linear.gather [hbm4b:s6+s5], $0x800, $0x38;
	[tilespmem:$0x1E680] =	vst v63  }
0xde: {  	_ =	swait.ge [sflag:s23], $0x800  }
0xdf: {  	[sflag:s23] =	ssyncset.done $0x0  }
0xe0: {  	[sflag:s23] =	ssyncadd.s32 $0xFFFFF800  }
0xe1: {  	[spmem:s2] =	stream.indirect.scatter.add.f32 [tilespmem:s26], [sflag:$0xC], $0x1, s8, s25, $0xb8;
	[tilespmem:$0x1E680] =	vst v63  }
0xe2: {  	_ =	swait.ge [sflag:s23], $0x80  }
0xe3: {  	[sflag:s23] =	ssyncset.done $0x0  }
0xe4: {  	[sflag:s23] =	ssyncadd.s32 $0xFFFFFF80  }
0xe5: {  	[spmem:s2] =	stream.indirect.scatter.add.f32 [tilespmem:s26], [sflag:$0xC], $0x1, s10, s25, $0xb8;
	[tilespmem:$0x1E680] =	vst v63  }
0xe6: {  	_ =	swait.ge [sflag:s23], $0x80  }
0xe7: {  	[sflag:s23] =	ssyncset.done $0x0  }
0xe8: {  	[sflag:s23] =	ssyncadd.s32 $0xFFFFFF80  }
0xe9: {  	[spmem:s2] =	stream.indirect.scatter.add.f32 [tilespmem:s26], [sflag:$0xC], $0x1, s18, s25, $0xb8;
	[tilespmem:$0x1E680] =	vst v63  }
0xea: {  	_ =	swait.ge [sflag:s23], $0x80  }
0xeb: {  	[sflag:s23] =	ssyncset.done $0x0  }
0xec: {  	[sflag:s23] =	ssyncadd.s32 $0xFFFFFF80  }
0xed: {  	[spmem:s2] =	stream.indirect.scatter.add.f32 [tilespmem:s26], [sflag:$0xC], $0x1, s0, s25, $0xb8;
	[tilespmem:$0x1E680] =	vst v63  }
0xee: {  	_ =	swait.ge [sflag:s23], $0x80  }
0xef: {  	[sflag:s23] =	ssyncset.done $0x0  }
0xf0: {  	[sflag:s23] =	ssyncadd.s32 $0xFFFFFF80  }
0xf1: {  	[spmem:s2] =	stream.indirect.scatter.add.f32 [tilespmem:s26], [sflag:$0xC], $0x1, s22, s25, $0xb8;
	[tilespmem:$0x1E680] =	vst v63  }
0xf2: {  	_ =	swait.ge [sflag:s23], $0x80  }
0xf3: {  	[sflag:s23] =	ssyncset.done $0x0  }
0xf4: {  	[sflag:s23] =	ssyncadd.s32 $0xFFFFFF80  }
0xf5: {  	[spmem:s2] =	stream.indirect.scatter.add.f32 [tilespmem:s26], [sflag:$0xC], $0x1, s20, s25, $0xb8;
	[tilespmem:$0x1E680] =	vst v63  }
0xf6: {  	_ =	swait.ge [sflag:s23], $0x80  }
0xf7: {  	[sflag:s23] =	ssyncset.done $0x0  }
0xf8: {  	[sflag:s23] =	ssyncadd.s32 $0xFFFFFF80  }
0xf9: {  	[spmem:s2] =	stream.indirect.scatter.add.f32 [tilespmem:s26], [sflag:$0xC], $0x1, s14, s25, $0xb8;
	[tilespmem:$0x1E680] =	vst v63  }
0xfa: {  	_ =	swait.ge [sflag:s23], $0x80  }
0xfb: {  	[sflag:s23] =	ssyncset.done $0x0  }
0xfc: {  	[sflag:s23] =	ssyncadd.s32 $0xFFFFFF80  }
0xfd: {  	[spmem:s2] =	stream.indirect.scatter.add.f32 [tilespmem:s26], [sflag:$0xC], $0x1, s21, s25, $0xb8;
	[tilespmem:$0x1E680] =	vst v63  }
0xfe: {  	_ =	swait.ge [sflag:s23], $0x80  }
0xff: {  	[sflag:s23] =	ssyncset.done $0x0  }
0x100: {  	[sflag:s23] =	ssyncadd.s32 $0xFFFFFF80  }
0x101: {  	[spmem:s2] =	stream.indirect.scatter.add.f32 [tilespmem:s26], [sflag:$0xC], $0x1, s24, s25, $0xb8;
	[tilespmem:$0x1E680] =	vst v63  }
0x102: {  	_ =	swait.ge [sflag:s23], $0x80  }
0x103: {  	[sflag:s23] =	ssyncset.done $0x0  }
0x104: {  	[sflag:s23] =	ssyncadd.s32 $0xFFFFFF80  }
0x105: {  	[spmem:s2] =	stream.indirect.scatter.add.f32 [tilespmem:s26], [sflag:$0xC], $0x1, s4, s25, $0xb8;
	[tilespmem:$0x1E680] =	vst v63  }
0x106: {  	_ =	swait.ge [sflag:s23], $0x80  }
0x107: {  	[sflag:s23] =	ssyncset.done $0x0  }
0x108: {  	[sflag:s23] =	ssyncadd.s32 $0xFFFFFF80  }
0x109: {  	[spmem:s2] =	stream.indirect.scatter.add.f32 [tilespmem:s26], [sflag:$0xC], $0x1, s19, s25, $0xb8;
	[tilespmem:$0x1E680] =	vst v63  }
0x10a: {  	_ =	swait.ge [sflag:s23], $0x80  }
0x10b: {  	[sflag:s23] =	ssyncset.done $0x0  }
0x10c: {  	[sflag:s23] =	ssyncadd.s32 $0xFFFFFF80  }
0x10d: {  	[spmem:s2] =	stream.indirect.scatter.add.f32 [tilespmem:s26], [sflag:$0xC], $0x1, s12, s25, $0xb8;
	[tilespmem:$0x1E680] =	vst v63  }
0x10e: {  	_ =	swait.ge [sflag:s23], $0x80  }
0x10f: {  	[sflag:s23] =	ssyncset.done $0x0  }
0x110: {  	[sflag:s23] =	ssyncadd.s32 $0xFFFFFF80  }
0x111: {  	[spmem:s2] =	stream.indirect.scatter.add.f32 [tilespmem:s26], [sflag:$0xC], $0x1, s30, s25, $0xb8;
	[tilespmem:$0x1E680] =	vst v63  }
0x112: {  	_ =	swait.ge [sflag:s23], $0x80  }
0x113: {  	[sflag:s23] =	ssyncset.done $0x0  }
0x114: {  	[sflag:s23] =	ssyncadd.s32 $0xFFFFFF80  }
0x115: {  	[spmem:s2] =	stream.indirect.scatter.add.f32 [tilespmem:s26], [sflag:$0xC], $0x1, s31, s25, $0xb8;
	[tilespmem:$0x1E680] =	vst v63  }
0x116: {  	_ =	swait.ge [sflag:s23], $0x80  }
0x117: {  	[sflag:s23] =	ssyncset.done $0x0  }
0x118: {  	[sflag:s23] =	ssyncadd.s32 $0xFFFFFF80  }
0x119: {  	[spmem:s2] =	stream.indirect.scatter.add.f32 [tilespmem:s26], [sflag:$0xC], $0x1, s3, s25, $0xb8;
	[tilespmem:$0x1E680] =	vst v63  }
0x11a: {  	_ =	swait.ge [sflag:s23], $0x80  }
0x11b: {  	[sflag:s23] =	ssyncset.done $0x0  }
0x11c: {  	[sflag:s23] =	ssyncadd.s32 $0xFFFFFF80  }
0x11d: {  	[spmem:s2] =	stream.indirect.scatter.add.f32 [tilespmem:s26], [sflag:$0xC], $0x1, s17, s25, $0xb8;
	[tilespmem:$0x1E680] =	vst v63  }
0x11e: {  	_ =	swait.ge [sflag:s23], $0x80  }
0x11f: {  	[sflag:s23] =	ssyncset.done $0x0  }
0x120: {  	[sflag:s23] =	ssyncadd.s32 $0xFFFFFF80  }
0x121: {  	[bflag:$0x0] =	sbarrier.arrive $0xFFFF  }
0x122: {  	s31 =	simm.s32 $0x1E100;
	s30 =	rddreg [dreg:$0xb]  }
0x123: {  	[tilespmem:s31], [sflag:$0xC] =	stream.linear.gather [spmem:s30], $0x280, $0x38;
	[tilespmem:$0x1E680] =	vst v63  }
0x124: {  	_ =	swait.ge [sflag:s23], $0x280  }
0x125: {  	[sflag:s23] =	ssyncset.done $0x0  }
0x126: {  	s7 =	simm.s32 $0x0;
	[sflag:s23] =	ssyncadd.s32 $0xFFFFFD80  }
0x127: {  	v2 =	vld [tilespmem:s7+$0x1E100];
	_ =	sdelay $0x4  }
0x128: {  	v2 =	vadd.f32 $1.000000000e+00, v2  }
0x129: {  	s8 =	simm.s32 $0x10  }
0x12a: {  	(erf) = vrcp.f32 v2;
	v2 =	vld [tilespmem:s8+$0x1E100];
	_ =	sdelay $0x4  }
0x12b: {  	s9 =	simm.s32 $0x20;
	v3 =	vadd.f32 $1.000000000e+00, v2  }
0x12c: {  	v2 =	vld [tilespmem:s9+$0x1E100]  }
0x12d: {  	(erf) = vrcp.f32 v3;
	_ =	sdelay $0x1  }
0x12e: {  	s6 =	simm.s32 $0x0  }
0x12f: {  	s10 =	simm.s32 $0xC0;
	s22 =	simm.s32 $0x14780;
	s20 =	simm.s32 $0x14800;
	v3 =	vpop (erf)  }
.LBB2_4:
0x130: {  	s18 =	sshra.s32 s10, $0x2;
	p0 =	sne.s32 s10, $0x9C0;
	s10 =	sadd.s32 $0x40, s10;
	v4 =	vadd.f32 $1.000000000e+00, v2;
	v3 =	vmul.f32 $5.000000000e-01, v3  }
.Ltmp1:
0x131: {  	v2 =	vld [tilespmem:s18+$0x1E100];
	(pc) =	sbr.rel @p0 .LBB2_4-.Ltmp1, $3  }
0x132: {  	(erf) = vrcp.f32 v4;
	[tilespmem:s7+$0x1E380] =	vst v3;
	s7 =	smov.u32 s8;
	s8 =	smov.u32 s9;
	s9 =	smov.u32 s18  }
0x133: {  	_ =	sdelay $0x1  }
0x134: {  	v3 =	vpop (erf)  }
0x135: {  	v2 =	vadd.f32 $1.000000000e+00, v2;
	_ =	sdelay $0x1  }
0x136: {  	(erf) = vrcp.f32 v2;
	_ =	sdelay $0x7  }
0x137: {  	v2 =	vmul.f32 $5.000000000e-01, v3;
	v3 =	vpop (erf)  }
0x138: {  	v3 =	vmul.f32 $5.000000000e-01, v3;
	v4 =	vpop (erf)  }
0x139: {  	s0 =	rddreg [dreg:$0x3];
	[tilespmem:s7+$0x1E380] =	vst v2;
	v2 =	vmul.f32 $5.000000000e-01, v4  }
0x13a: {  	s4 =	simm.s32 $0x1CD00;
	s31 =	simm.s32 $0x1A500;
	s12 =	rddreg [dreg:$0x13];
	[tilespmem:s8+$0x1E380] =	vst v3  }
0x13b: {  	s3 =	simm.s32 $0x1;
	s17 =	simm.s32 $0x16500;
	s14 =	rddreg [dreg:$0x11];
	[tilespmem:s9+$0x1E380] =	vst v2  }
.LBB2_6:
0x13c: {  	p0 =	sne.s32 s6, $0x4F00  }
.Ltmp2:
0x13d: {  	s7 =	sshra.s32 s6, $0x2;
	(pc) =	sbr.rel @p0 .LBB2_6-.Ltmp2, $4  }
0x13e: {  	[tilespmem:s7+$0x1A500] =	vst v0  }
0x13f: {  	[tilespmem:s7+$0x1A510] =	vst v0  }
0x140: {  	[tilespmem:s7+$0x1A520] =	vst v0  }
0x141: {  	s6 =	sadd.s32 $0x100, s6;
	[tilespmem:s7+$0x1A530] =	vst v0  }
0x142: {  	s6 =	sadd.s32 $0x0, s14  }
0x143: {  	[tilespmem:s4], [sflag:$0xC] =	stream.linear.gather [hbm4b:s6+s5], $0x1400, $0x38;
	[tilespmem:$0x1E680] =	vst v63  }
0x144: {  	_ =	swait.ge [sflag:s23], $0x1400  }
0x145: {  	[sflag:s23] =	ssyncset.done $0x0  }
0x146: {  	s29 =	sadd.s32 $0x0, s12;
	[sflag:s23] =	ssyncadd.s32 $0xFFFFEC00  }
0x147: {  	[hbm4b:s29+s5] =	stream.linear.scatter [tilespmem:s4], [sflag:$0xC], $0x1400, $0x38;
	[tilespmem:$0x1E680] =	vst v63  }
0x148: {  	_ =	swait.ge [sflag:s23], $0x1400  }
0x149: {  	[sflag:s23] =	ssyncset.done $0x0  }
0x14a: {  	s30 =	rddreg [dreg:$0x12];
	[sflag:s23] =	ssyncadd.s32 $0xFFFFEC00  }
0x14b: {  	[spmem:s30] =	stream.linear.scatter [tilespmem:s31], [sflag:$0xC], $0x1400, $0x38;
	[tilespmem:$0x1E680] =	vst v63  }
0x14c: {  	s7 =	simm.s32 $0x280;
	_ =	swait.ge [sflag:s23], $0x1400  }
0x14d: {  	s8 =	simm.s32 $0x500;
	s6 =	sadd.s32 $0x1400, s30;
	[sflag:s23] =	ssyncset.done $0x0  }
.LBB2_8:
0x14e: {  	s9 =	sadd.s32 s7, s14  }
0x14f: {  	[sflag:s23] =	ssyncadd.s32 $0xFFFFEC00;
	s10 =	smov.u32 s8;
	s18 =	sadd.s32 $0x280, s8  }
0x150: {  	[tilespmem:s4], [sflag:$0xC] =	stream.linear.gather [hbm4b:s9+s5], $0x1400, $0x38;
	[tilespmem:$0x1E680] =	vst v63  }
0x151: {  	p0 =	sne.s32 s8, $0x1180;
	_ =	swait.ge [sflag:s23], $0x1400  }
0x152: {  	[sflag:s23] =	ssyncset.done $0x0  }
0x153: {  	s8 =	sadd.s32 s7, s12;
	s7 =	smov.u32 s10;
	[sflag:s23] =	ssyncadd.s32 $0xFFFFEC00  }
0x154: {  	[hbm4b:s8+s5] =	stream.linear.scatter [tilespmem:s4], [sflag:$0xC], $0x1400, $0x38;
	[tilespmem:$0x1E680] =	vst v63  }
0x155: {  	_ =	swait.ge [sflag:s23], $0x1400  }
.Ltmp3:
0x156: {  	[sflag:s23] =	ssyncset.done $0x0;
	(pc) =	sbr.rel @p0 .LBB2_8-.Ltmp3, $4  }
0x157: {  	[sflag:s23] =	ssyncadd.s32 $0xFFFFEC00  }
0x158: {  	[spmem:s6] =	stream.linear.scatter [tilespmem:s31], [sflag:$0xC], $0x1400, $0x38;
	[tilespmem:$0x1E680] =	vst v63  }
0x159: {  	_ =	swait.ge [sflag:s23], $0x1400  }
0x15a: {  	s8 =	smov.u32 s18;
	s6 =	sadd.s32 $0x1400, s6;
	[sflag:s23] =	ssyncset.done $0x0  }
0x15b: {  	s8 =	sadd.s32 s7, s14;
	[sflag:s23] =	ssyncadd.s32 $0xFFFFEC00  }
0x15c: {  	[tilespmem:s4], [sflag:$0xC] =	stream.linear.gather [hbm4b:s8+s5], $0x1400, $0x38;
	[tilespmem:$0x1E680] =	vst v63  }
0x15d: {  	_ =	swait.ge [sflag:s23], $0x1400  }
0x15e: {  	[sflag:s23] =	ssyncset.done $0x0  }
0x15f: {  	s29 =	sadd.s32 s7, s12;
	[sflag:s23] =	ssyncadd.s32 $0xFFFFEC00  }
0x160: {  	[hbm4b:s29+s5] =	stream.linear.scatter [tilespmem:s4], [sflag:$0xC], $0x1400, $0x38;
	[tilespmem:$0x1E680] =	vst v63  }
0x161: {  	_ =	swait.ge [sflag:s23], $0x1400  }
0x162: {  	[sflag:s23] =	ssyncset.done $0x0  }
0x163: {  	[sflag:s23] =	ssyncadd.s32 $0xFFFFEC00  }
0x164: {  	[spmem:s6] =	stream.linear.scatter [tilespmem:s31], [sflag:$0xC], $0x1400, $0x38;
	[tilespmem:$0x1E680] =	vst v63  }
0x165: {  	_ =	swait.ge [sflag:s23], $0x1400  }
0x166: {  	[sflag:s23] =	ssyncset.done $0x0  }
0x167: {  	[sflag:s23] =	ssyncadd.s32 $0xFFFFEC00  }
0x168: {  	s30 =	simm.s32 $0x0;
	[bflag:$0x0] =	sbarrier.arrive $0xFFFF  }
.LBB2_10:
0x169: {  	s6 =	rddreg [dreg:$0xd];
	s7 =	simm.s32 $0x14500;
	s8 =	simm.s32 $0x0  }
0x16a: {  	[tilespmem:s7], [sflag:$0xC] =	stream.linear.gather [hbm4b:s6+s8], $0x800, $0x38;
	[tilespmem:$0x1E680] =	vst v63  }
0x16b: {  	_ =	swait.ge [sflag:s23], $0x800  }
0x16c: {  	[sflag:s23] =	ssyncset.done $0x0  }
0x16d: {  	s29 =	simm.s32 $0x15500;
	s24 =	rddreg [dreg:$0xe];
	[sflag:s23] =	ssyncadd.s32 $0xFFFFF800  }
0x16e: {  	[tilespmem:s29], [sflag:$0xC] =	stream.linear.gather [hbm4b:s24+s8], $0x800, $0x38;
	[tilespmem:$0x1E680] =	vst v63  }
0x16f: {  	_ =	swait.ge [sflag:s23], $0x800  }
0x170: {  	s6 =	simm.s32 $0x100;
	[sflag:s23] =	ssyncset.done $0x0  }
0x171: {  	s7 =	simm.s32 $0x0;
	s8 =	simm.s32 $0x0;
	[sflag:s23] =	ssyncadd.s32 $0xFFFFF800  }
0x172: {  	[tilespmem:s17], [sflag:$0x1] =	stream.indirect.gather [hbm4b:s11+s25], $0x40, s29, s25, $0xb8;
	[tilespmem:$0x1E680] =	vst v63  }
.LBB2_11:
0x173: {  	s9 =	sshrl.u32 s8, $0x3  }
0x174: {  	_ =	swait.ge [sflag:s3], $0x2000;
	s10 =	sand.u32 $0x1, s9;
	s19 =	sshll.u32 s9, $0xD  }
0x175: {  	p0 =	sgt.u32 s8, $0x47;
	s18 =	sshll.u32 s10, $0xD;
	s14 =	sor.u32 $0x1000, s19  }
0x176: {  	s12 =	sshra.s32 s7, $0x2;
	s18 =	ssub.s32 s18, s19;
	p1 =	sne.s32 @!p0 s14, s7  }
0x177: {  	[sflag:s3] =	ssyncset.done $0x0;
	s18 =	sshra.s32 s18, $0x2;
	p1 =	por p1, p0  }
0x178: {  	[sflag:s3] =	ssyncadd.s32 $0xFFFFE000;
	s29 =	sadd.s32 $0x14500, s18;
	s9 =	sshll.u32 @!p1 s9, $0xB  }
0x179: {  	s14 =	rddreg [dreg:$0x8];
	s29 =	sadd.s32 s12, s29;
	s9 =	sadd.s32 @!p1 $0x800, s9  }
0x17a: {  	[spmem:s0] =	stream.indirect.scatter.add.f32 [tilespmem:s17], [sflag:$0x3], $0x40, s29, s25, $0xb8;
	[tilespmem:$0x1E680] =	vst v63  }
0x17b: {  	s10 =	sshll.u32 @!p1 s10, $0xB;
	s14 =	sadd.s32 @!p1 s14, s9  }
0x17c: {  	s24 =	rddreg [dreg:$0x9];
	s10 =	sxor.u32 @!p1 $0x800, s10;
	s14 =	sshrl.u32 @!p1 s14, $0x3  }
0x17d: {  	s21 =	sor.u32 @!p1 $0x14500, s10;
	s14 =	sadd.s32 @!p1 s24, s14;
	s24 =	simm.s32 @!p1 $0x0  }
0x17e: {  	[tilespmem:s21], [sflag:$0x5] =	stream.linear.gather @!p1 [hbm4b:s14+s24], $0x800, $0x38;
	[tilespmem:$0x1E680] =	vst v63  }
0x17f: {  	s14 =	rddreg [dreg:$0xc]  }
0x180: {  	s9 =	sadd.s32 @!p1 s14, s9  }
0x181: {  	s14 =	rddreg [dreg:$0x1];
	s9 =	sshrl.u32 @!p1 s9, $0x3  }
0x182: {  	s10 =	sor.u32 @!p1 $0x15500, s10;
	s9 =	sadd.s32 @!p1 s14, s9  }
0x183: {  	[tilespmem:s10], [sflag:$0x6] =	stream.linear.gather @!p1 [hbm4b:s9+s24], $0x800, $0x38;
	[tilespmem:$0x1E680] =	vst v63  }
0x184: {  	p1 =	seq.s32 s7, $0x0  }
0x185: {  	s9 =	simm.s32 @!p1 $0x4  }
0x186: {  	s14 =	sadd.s32 $0x15580, s18;
	_ =	swait.ge @!p1 [sflag:s9], $0x2000  }
0x187: {  	s21 =	simm.s32 $0x18500;
	s18 =	sadd.s32 s12, s14;
	[sflag:s9] =	ssyncset.done @!p1 $0x0  }
0x188: {  	s24 =	simm.s32 $0x2;
	[sflag:s9] =	ssyncadd.s32 @!p1 $0xFFFFE000;
	s9 =	sor.u32 $0x1C00, s19  }
0x189: {  	[tilespmem:s21], [sflag:$0x2] =	stream.indirect.gather [hbm4b:s11+s25], $0x40, s18, s25, $0xb8;
	[tilespmem:$0x1E680] =	vst v63  }
0x18a: {  	p1 =	sne.s32 @!p0 s9, s7;
	_ =	swait.ge [sflag:s24], $0x2000  }
0x18b: {  	p0 =	por p1, p0;
	[sflag:s24] =	ssyncset.done $0x0  }
0x18c: {  	s29 =	sadd.s32 $0x80, s29;
	s9 =	simm.s32 @!p0 $0x5;
	[sflag:s24] =	ssyncadd.s32 $0xFFFFE000  }
0x18d: {  	[spmem:s0] =	stream.indirect.scatter.add.f32 [tilespmem:s21], [sflag:$0x4], $0x40, s29, s25, $0xb8;
	[tilespmem:$0x1E680] =	vst v63  }
0x18e: {  	_ =	swait.ge @!p0 [sflag:s9], $0x800  }
0x18f: {  	[sflag:s9] =	ssyncset.done @!p0 $0x0  }
0x190: {  	[sflag:s9] =	ssyncadd.s32 @!p0 $0xFFFFF800;
	s9 =	simm.s32 @!p0 $0x6  }
0x191: {  	_ =	swait.ge @!p0 [sflag:s9], $0x800  }
0x192: {  	[sflag:s9] =	ssyncset.done @!p0 $0x0  }
0x193: {  	[sflag:s9] =	ssyncadd.s32 @!p0 $0xFFFFF800;
	p0 =	seq.s32 s7, $0x13C00  }
.Ltmp4:
0x194: {  	_ = 	snop;
	(pc) =	sbr.rel @p0 .LBB2_13-.Ltmp4, $4  }
0x195: {  	_ = 	snop  }
0x196: {  	_ =	swait.ge [sflag:s13], $0x2000  }
0x197: {  	[sflag:s13] =	ssyncset.done $0x0  }
0x198: {  	[sflag:s13] =	ssyncadd.s32 $0xFFFFE000  }
.Ltmp5:
0x199: {  	(pc) =	sbr.rel .LBB2_11-.Ltmp5, $4  }
0x19a: {  	_ = 	snop  }
0x19b: {  	s9 =	sand.u32 $0xFFFF0F00, s6;
	s8 =	sadd.s32 $0x1, s8  }
0x19c: {  	s6 =	sadd.s32 $0x100, s6;
	s7 =	sadd.s32 $0x400, s7;
	s9 =	sadd.s32 $0x15500, s9  }
0x19d: {  	[tilespmem:s17], [sflag:$0x1] =	stream.indirect.gather [hbm4b:s11+s25], $0x40, s9, s25, $0xb8;
	[tilespmem:$0x1E680] =	vst v63  }
.LBB2_13:
0x19e: {  	s6 =	simm.s32 $0x4  }
0x19f: {  	_ =	swait.ge [sflag:s6], $0x2000  }
0x1a0: {  	[sflag:s6] =	ssyncset.done $0x0  }
0x1a1: {  	[sflag:s6] =	ssyncadd.s32 $0xFFFFE000  }
0x1a2: {  	[bflag:$0x0] =	sbarrier.arrive $0xFFFF  }
0x1a3: {  	s29 =	simm.s32 $0x0;
	s7 =	simm.s32 $0x0;
	s21 =	rddreg [dreg:$0x5]  }
0x1a4: {  	s14 =	simm.s32 $0x1B900;
	s6 =	simm.s32 $0x0;
	s24 =	rddreg [dreg:$0x6]  }
.LBB2_14:
0x1a5: {  	p0 =	seq.s32 s7, $0x0  }
0x1a6: {  	s8 =	simm.s32 @!p0 $0xA  }
0x1a7: {  	s9 =	smul.u32 $0x50, s7;
	_ =	swait.ge @!p0 [sflag:s8], $0x1400  }
0x1a8: {  	[sflag:s8] =	ssyncset.done @!p0 $0x0  }
0x1a9: {  	s9 =	sadd.s32 s21, s9;
	[sflag:s8] =	ssyncadd.s32 @!p0 $0xFFFFEC00;
	s8 =	simm.s32 @!p0 $0xB  }
0x1aa: {  	s10 =	sshll.u32 s9, $0x6;
	s9 =	sadd.s32 s24, s9;
	_ =	swait.ge @!p0 [sflag:s8], $0x1400  }
0x1ab: {  	s9 =	sshll.u32 s9, $0x3;
	[sflag:s8] =	ssyncset.done @!p0 $0x0;
	s12 =	rddreg [dreg:$0xa]  }
0x1ac: {  	[sflag:s8] =	ssyncadd.s32 @!p0 $0xFFFFEC00;
	s8 =	sadd.s32 s10, s0;
	s10 =	sadd.s32 s12, s10  }
0x1ad: {  	[tilespmem:s31], [sflag:$0x7] =	stream.linear.gather [spmem:s8], $0x1400, $0x38;
	[tilespmem:$0x1E680] =	vst v63  }
0x1ae: {  	s9 =	sadd.s32 s11, s9;
	s19 =	rddreg [dreg:$0x7];
	s10 =	sshrl.u32 s10, $0x3  }
0x1af: {  	[tilespmem:s14], [sflag:$0x8] =	stream.linear.gather [hbm4b:s9+s29], $0x1400, $0x38;
	[tilespmem:$0x1E680] =	vst v63  }
0x1b0: {  	s10 =	sadd.s32 s19, s10  }
0x1b1: {  	[tilespmem:s4], [sflag:$0x9] =	stream.linear.gather [hbm4b:s10+s29], $0x1400, $0x38;
	[tilespmem:$0x1E680] =	vst v63  }
0x1b2: {  	_ =	swait.ge [sflag:s15], $0x1400  }
0x1b3: {  	[sflag:s15] =	ssyncset.done $0x0  }
0x1b4: {  	[sflag:s15] =	ssyncadd.s32 $0xFFFFEC00  }
0x1b5: {  	_ =	swait.ge [sflag:s16], $0x1400  }
0x1b6: {  	[sflag:s16] =	ssyncset.done $0x0  }
0x1b7: {  	[sflag:s16] =	ssyncadd.s32 $0xFFFFEC00  }
0x1b8: {  	_ =	swait.ge [sflag:s1], $0x1400  }
0x1b9: {  	[sflag:s1] =	ssyncset.done $0x0  }
0x1ba: {  	s10 =	simm.s32 $0x0;
	[sflag:s1] =	ssyncadd.s32 $0xFFFFEC00  }
0x1bb: {  	v6 =	vld [tilespmem:s10+$0x1CD20]  }
0x1bc: {  	v3 =	vld [tilespmem:s10+$0x1CD10]  }
0x1bd: {  	v9 =	vld [tilespmem:s10+$0x1CD30]  }
0x1be: {  	v10 =	vld [tilespmem:s10+$0x1A520]  }
0x1bf: {  	v2 =	vmov s6;
	v8 =	vld [tilespmem:s10+$0x1A510]  }
0x1c0: {  	v11 =	vld [tilespmem:s10+$0x1CD00]  }
0x1c1: {  	v12 =	vld [tilespmem:s10+$0x1A500]  }
0x1c2: {  	v13 =	vld [tilespmem:s10+$0x1A530]  }
0x1c3: {  	v5 =	vld [tilespmem:s10+$0x1B920]  }
0x1c4: {  	v2 =	vld.idx.msk [tilespmem:v2+s28+$0x0], $0xffff  }
0x1c5: {  	[tilespmem:s10+$0x1A500] =	vst v0;
	v4 =	vld [tilespmem:s10+$0x1B910]  }
0x1c6: {  	v7 =	vld [tilespmem:s10+$0x1B900];
	[tilespmem:s10+$0x1A510] =	vst v0;
	v3 =	vadd.f32 v3, v8;
	v8 =	vadd.f32 v11, v12  }
0x1c7: {  	s18 =	simm.s32 $0x100;
	s19 =	sadd.s32 $0x1, s6;
	[tilespmem:s10+$0x1A520] =	vst v0;
	v10 =	vadd.f32 v6, v10;
	v6 =	vld [tilespmem:s10+$0x1B930];
	v9 =	vadd.f32 v9, v13  }
.LBB2_15:
0x1c8: {  	v11 =	vmov s19;
	s12 =	sshra.s32 s18, $0x2;
	p0 =	sne.s32 s18, $0x4F00;
	s18 =	sadd.s32 $0x100, s18;
	[tilespmem:s10+$0x1A530] =	vst v0  }
0x1c9: {  	v5 =	vmul.f32 $5.000000000e-01, v5;
	v12 =	vld [tilespmem:s12+$0x1CD20]  }
0x1ca: {  	v10 =	vmul.f32 v10, v2;
	v9 =	vmul.f32 v9, v2;
	v13 =	vld [tilespmem:s12+$0x1CD10]  }
0x1cb: {  	v8 =	vmul.f32 v8, v2;
	v14 =	vld [tilespmem:s12+$0x1CD30];
	v7 =	vmul.f32 $5.000000000e-01, v7  }
0x1cc: {  	v2 =	vmul.f32 v3, v2;
	v4 =	vmul.f32 $5.000000000e-01, v4;
	v3 =	vadd.f32 v10, v5;
	v15 =	vld [tilespmem:s12+$0x1A520]  }
0x1cd: {  	v6 =	vmul.f32 $5.000000000e-01, v6;
	v10 =	vld [tilespmem:s12+$0x1A510];
	v5 =	vadd.f32 v8, v7  }
0x1ce: {  	v2 =	vadd.f32 v2, v4;
	v8 =	vld [tilespmem:s12+$0x1CD00];
	[tilespmem:s10+$0x1B920] =	vst v3  }
0x1cf: {  	v3 =	vadd.f32 v9, v6;
	v16 =	vld [tilespmem:s12+$0x1A500];
	[tilespmem:s10+$0x1B900] =	vst v5  }
0x1d0: {  	v9 =	vld [tilespmem:s12+$0x1A530];
	[tilespmem:s10+$0x1B910] =	vst v2  }
.Ltmp6:
0x1d1: {  	v5 =	vld [tilespmem:s12+$0x1B920];
	[tilespmem:s10+$0x1B930] =	vst v3;
	s10 =	smov.u32 s12;
	(pc) =	sbr.rel @p0 .LBB2_15-.Ltmp6, $4  }
0x1d2: {  	v2 =	vld.idx.msk [tilespmem:v11+s28+$0x0], $0xffff;
	v3 =	vadd.f32 v13, v10  }
0x1d3: {  	[tilespmem:s10+$0x1A500] =	vst v0;
	v4 =	vld [tilespmem:s10+$0x1B910]  }
0x1d4: {  	v10 =	vadd.f32 v12, v15;
	v7 =	vld [tilespmem:s10+$0x1B900];
	v8 =	vadd.f32 v8, v16;
	[tilespmem:s10+$0x1A510] =	vst v0  }
0x1d5: {  	s19 =	sadd.s32 $0x1, s19;
	[tilespmem:s10+$0x1A520] =	vst v0;
	v6 =	vld [tilespmem:s10+$0x1B930];
	v9 =	vadd.f32 v14, v9  }
0x1d6: {  	_ = 	snop  }
0x1d7: {  	v5 =	vmul.f32 $5.000000000e-01, v5;
	v10 =	vmul.f32 v10, v2  }
0x1d8: {  	v3 =	vmul.f32 v3, v2;
	v4 =	vmul.f32 $5.000000000e-01, v4  }
0x1d9: {  	v8 =	vmul.f32 v8, v2;
	v7 =	vmul.f32 $5.000000000e-01, v7;
	v5 =	vadd.f32 v10, v5  }
0x1da: {  	[tilespmem:s10+$0x1A530] =	vst v0;
	v2 =	vmul.f32 v9, v2;
	v6 =	vmul.f32 $5.000000000e-01, v6;
	v3 =	vadd.f32 v3, v4  }
0x1db: {  	s7 =	sadd.s32 $0x1, s7;
	v7 =	vadd.f32 v8, v7;
	[tilespmem:s10+$0x1B920] =	vst v5  }
0x1dc: {  	p0 =	sne.s32 s7, $0x8;
	v2 =	vadd.f32 v2, v6;
	[tilespmem:s10+$0x1B910] =	vst v3  }
.Ltmp7:
0x1dd: {  	[tilespmem:s10+$0x1B900] =	vst v7;
	(pc) =	sbr.rel @p0 .LBB2_14-.Ltmp7, $4  }
0x1de: {  	[tilespmem:s10+$0x1B930] =	vst v2  }
0x1df: {  	[hbm4b:s9+s5] =	stream.linear.scatter [tilespmem:s14], [sflag:$0xA], $0x1400, $0x38;
	[tilespmem:$0x1E680] =	vst v63  }
0x1e0: {  	s6 =	sadd.s32 $0x50, s6  }
0x1e1: {  	[spmem:s8] =	stream.linear.scatter [tilespmem:s31], [sflag:$0xB], $0x1400, $0x38;
	[tilespmem:$0x1E680] =	vst v63  }
0x1e2: {  	s6 =	simm.s32 $0xA  }
0x1e3: {  	_ =	swait.ge [sflag:s6], $0x1400  }
0x1e4: {  	s30 =	sadd.s32 $0x1, s30;
	[sflag:s6] =	ssyncset.done $0x0  }
0x1e5: {  	s29 =	simm.s32 $0xB;
	p0 =	sne.s32 s30, $0x10;
	[sflag:s6] =	ssyncadd.s32 $0xFFFFEC00  }
.Ltmp8:
0x1e6: {  	_ =	swait.ge [sflag:s29], $0x1400;
	(pc) =	sbr.rel @p0 .LBB2_10-.Ltmp8, $3  }
0x1e7: {  	[sflag:s29] =	ssyncset.done $0x0  }
0x1e8: {  	[sflag:s29] =	ssyncadd.s32 $0xFFFFEC00  }
0x1e9: {  	[bflag:$0x0] =	sbarrier.arrive $0xFFFF;
	_ =	sdelay $0x1  }
0x1ea: {  	s29 =	rddreg [dreg:$0x14]  }
0x1eb: {  	s6 =	rddreg [dreg:$0xf]  }
0x1ec: {  	s31 =	rddreg [dreg:$0xb];
	s29 =	sadd.s32 $0x1, s29  }
0x1ed: {  	s9 =	rddreg [dreg:$0x10];
	s7 =	simm.s32 $0x14500;
	p0 =	sne.s32 s29, s6  }
.Ltmp9:
0x1ee: {  	s8 =	simm.s32 $0x14580;
	s10 =	simm.s32 $0x14600;
	(pc) =	sbr.rel @p0 .LBB2_1-.Ltmp9, $4  }
0x1ef: {  	s0 =	simm.s32 $0x14680;
	s18 =	simm.s32 $0x14700;
	s14 =	simm.s32 $0x14880  }
0x1f0: {  	s21 =	simm.s32 $0x14900;
	s4 =	simm.s32 $0x14980;
	s19 =	simm.s32 $0x14A00  }
0x1f1: {  	s12 =	simm.s32 $0x14A80;
	s24 =	simm.s32 $0x14B00;
	s3 =	simm.s32 $0x14C00  }
0x1f2: {  	s17 =	simm.s32 $0x14C80;
	s30 =	simm.s32 $0x14B80;
	s6 =	simm.s32 $0x1E100  }
0x1f3: {  	_ =	sfence.sel $0x180000  }
0x1f4: {  	[bflag:$0x0] =	sbarrier.arrive $0xFFFF  }
0x1f5: {  	_ =	strace $0x90000047  }
0x1f6: {  	s0 =	stileid.u32;
	[bflag:$0x2] =	sbarrier.arrive $0xFFFF  }
0x1f7: {  	p0 =	sne.s32 s0, $0x0;
	s0 =	rddreg [dreg:$0x4]  }
0x1f8: {  	s0 =	sadd.s32 @!p0 $0x100000, s0  }
0x1f9: {  	[sflag:s0] =	ssyncadd.tile.s32 @!p0 $0x1;
	_ =	shalt  }
.Lfunc_end2:
_tile_overlayer_lowered:
.L_overlay_start_2:
0x1fa: {  	(tag) =	ssettag $0x2  }
0x1fb: {  	s0 =	rddreg [dreg:$0x0];
	s2 =	stileid.u32  }
0x1fc: {  	s1 =	rddreg [dreg:$0x1];
	p0 =	sne.s32 s2, $0x0  }
0x1fd: {  	s3 =	rddreg [dreg:$0x2];
	[bflag:$0x3] =	sbarrier.arrive $0xFFFF;
	s2 =	simm.s32 @!p0 $0x1C0C  }
0x1fe: {  	[timem:s3], [sflag:s2] =	dma.local @!p0 [hbm:s0], s1  }
0x1ff: {  	s0 =	simm.s32 @!p0 $0xC  }
0x200: {  	_ =	swait.ge @!p0 [sflag:s0], s1  }
0x201: {  	s1 =	ssub.s32 @!p0 $0x0, s1;
	[sflag:s0] =	ssyncset.done @!p0 $0x0  }
0x202: {  	[sflag:s0] =	ssyncadd.s32 @!p0 s1  }
0x203: {  	[bflag:$0x3] =	sbarrier.arrive $0xFFFF  }
0x204: {  	_ =	shalt  }

</sc_bundles>
